<compile_context>
chip_gen: v7x
topology: tpu7x:2x2x1
jax: 0.10.2.dev20260603
libtpu: 0.0.44.dev20260713+nightly
codegen_flags: <defaults>
</compile_context>

<pallas_src>
import functools

import jax
import jax.numpy as jnp
from jax import lax
from jax.experimental import pallas as pl
from jax.experimental.pallas import tpu as pltpu
from jax.experimental.pallas import tpu_sc as plsc

_N = 18432
_K = 1024
_D = 64
_BLK = 3072
_COMMIT = 0.25
_NA = 6144
_NB = _N - _NA


def _tc_body(xt_ref, wt_ref, w2_ref, idx_ref, loss_ref):
    i = pl.program_id(0)
    xt = xt_ref[...]
    wt = wt_ref[...]
    mmt = lax.dot_general(wt, xt, (((0,), (0,)), ((), ())),
                          preferred_element_type=jnp.float32)
    z2 = jnp.sum(xt * xt, axis=0, keepdims=True)
    w2 = w2_ref[...]
    dist = (z2 + w2) - mmt
    minval = jnp.min(dist, axis=0, keepdims=True)
    idx = jnp.argmin(dist, axis=0).reshape(1, _BLK)
    idx_ref[...] = idx[None]

    @pl.when(i == 0)
    def _init():
        loss_ref[...] = jnp.zeros_like(loss_ref)

    loss_ref[...] = loss_ref[...] + jnp.sum(minval)


def _make_tc_call(n_tok, block_off):
    return pl.pallas_call(
        _tc_body,
        grid=(n_tok // _BLK,),
        in_specs=[
            pl.BlockSpec((_D, _BLK), lambda i: (0, i + block_off)),
            pl.BlockSpec((_D, _K), lambda i: (0, 0)),
            pl.BlockSpec((_K, 1), lambda i: (0, 0)),
        ],
        out_specs=[
            pl.BlockSpec((1, 1, _BLK), lambda i: (i, 0, 0)),
            pl.BlockSpec((1, 1), lambda i: (0, 0)),
        ],
        out_shape=[
            jax.ShapeDtypeStruct((n_tok // _BLK, 1, _BLK), jnp.int32),
            jax.ShapeDtypeStruct((1, 1), jnp.float32),
        ],
    )


_tc_half = [_make_tc_call(_NA, 0), _make_tc_call(_NB, _NA // _BLK)]

_DP = 128


@functools.cache
def _make_sc_gather(n_tok):
    info = plsc.get_sparse_core_info()
    nc, ns = info.num_cores, info.num_subcores
    nw = nc * ns
    bpw = n_tok // nw
    ch = 96
    n_ch = bpw // ch
    assert bpw % ch == 0 and n_tok % nw == 0
    mesh = plsc.VectorSubcoreMesh(core_axis_name="c", subcore_axis_name="s")

    @functools.partial(
        pl.kernel,
        mesh=mesh,
        out_type=jax.ShapeDtypeStruct((n_tok, _DP), jnp.float32),
        scratch_types=[
            pltpu.VMEM((bpw,), jnp.int32),
            pltpu.VMEM((bpw, _DP), jnp.float32),
            pltpu.SemaphoreType.DMA,
        ],
    )
    def gather_k(idx_hbm, table_hbm, out_hbm, idx_v, rows_v, sem):
        wid = lax.axis_index("s") * nc + lax.axis_index("c")
        base = wid * bpw
        pltpu.sync_copy(idx_hbm.at[pl.ds(base, bpw)], idx_v)
        copies = []
        for j in range(n_ch):
            copies.append(pltpu.async_copy(
                table_hbm.at[idx_v.at[pl.ds(j * ch, ch)]],
                rows_v.at[pl.ds(j * ch, ch)],
                sem,
            ))
        for cp in copies:
            cp.wait()
        pltpu.sync_copy(rows_v, out_hbm.at[pl.ds(base, bpw)])

    return gather_k


def _tp_body_first(q_ref, out_ref):
    out_ref[...] = q_ref[...][:, :_D].T


def _tp_body_second(q_ref, alias_ref, out_ref):
    del alias_ref
    out_ref[...] = q_ref[...][:, :_D].T


_tp_first = pl.pallas_call(
    _tp_body_first,
    grid=(_NA // _BLK,),
    in_specs=[pl.BlockSpec((_BLK, _DP), lambda j: (j, 0))],
    out_specs=pl.BlockSpec((_D, _BLK), lambda j: (0, j)),
    out_shape=jax.ShapeDtypeStruct((_D, _N), jnp.float32),
)

_tp_second = pl.pallas_call(
    _tp_body_second,
    grid=(_NB // _BLK,),
    in_specs=[
        pl.BlockSpec((_BLK, _DP), lambda j: (j, 0)),
        pl.BlockSpec(memory_space=pl.ANY),
    ],
    out_specs=pl.BlockSpec((_D, _BLK), lambda j: (0, j + _NA // _BLK)),
    out_shape=jax.ShapeDtypeStruct((_D, _N), jnp.float32),
    input_output_aliases={1: 0},
)


def kernel(inputs, weight):
    xt = inputs.T
    wt2 = weight.T + weight.T
    w2col = jnp.sum(weight * weight, axis=1, keepdims=True)
    table_pad = jnp.pad(weight, ((0, 0), (0, _DP - _D)))

    quant, losses = [], []
    for h, n_tok in ((0, _NA), (1, _NB)):
        idx3, loss_sum = _tc_half[h](xt, wt2, w2col)
        idx_flat = idx3.reshape(n_tok)
        quant_pad = _make_sc_gather(n_tok)(idx_flat, table_pad)
        quant.append(quant_pad)
        losses.append((idx_flat, loss_sum))

    qt = _tp_first(quant[0])
    qt = _tp_second(quant[1], qt)
    quantized = qt.T
    idx_all = jnp.concatenate([l[0] for l in losses]).reshape(_N, 1)
    s = losses[0][1][0, 0] + losses[1][1][0, 0]
    q_latent_loss = s / (_N * _D)
    e_term = _COMMIT * q_latent_loss
    return quantized, q_latent_loss, e_term, idx_all

# --- scband reference (transcript-rebuilt; emitter-appended) ---
"""Pipeline reference for scband-code-book-4724464026120 (READ-ONLY COPY).

The authoritative reference and input builder live on the scoring server;
editing this copy changes nothing except your own understanding.
"""

import jax, jax.numpy as jnp
import numpy as np

NUM_EMBEDDINGS = 1024
EMBEDDING_DIM = 64
COMMITMENT_COST = 0.25
N_TOKENS = 18432


def setup_inputs(seed: int = 0) -> dict:
    key = jax.random.key(seed)
    k1, k2 = jax.random.split(key)
    inputs = jax.random.normal(k1, (N_TOKENS, EMBEDDING_DIM), dtype=jnp.float32)
    weight = jax.random.normal(k2, (NUM_EMBEDDINGS, EMBEDDING_DIM), dtype=jnp.float32)
    return {"inputs": inputs, "weight": weight}


def reference(inputs, weight):
    # distances[n, k] = ||inputs[n]||^2 + ||weight[k]||^2 - 2 <inputs[n], weight[k]>
    distances = (jnp.sum(inputs ** 2, axis=1, keepdims=True)
                 + jnp.sum(weight ** 2, axis=1)
                 - 2.0 * jnp.matmul(inputs, weight.T))
    encoding_indices = jnp.argmin(distances, axis=1)[:, None]
    n = inputs.shape[0]
    encodings = jnp.zeros((n, NUM_EMBEDDINGS), dtype=inputs.dtype)
    encodings = encodings.at[jnp.arange(n)[:, None], encoding_indices].set(1.0)
    quantized = jnp.matmul(encodings, weight)
    e_latent_loss = jnp.mean((jax.lax.stop_gradient(quantized) - inputs) ** 2)
    q_latent_loss = jnp.mean((quantized - jax.lax.stop_gradient(inputs)) ** 2)
    # straight-through estimator
    quantized_st = inputs + jax.lax.stop_gradient(quantized - inputs)
    return (quantized_st, q_latent_loss, COMMITMENT_COST * e_latent_loss, encoding_indices)

if __name__ == "__main__":
    import jax
    _d = setup_inputs()
    print(jax.jit(kernel)(*tuple(_d.values())))

</pallas_src>

<mosaic_0001>
#map = affine_map<(d0, d1) -> (0)>
#map1 = affine_map<(d0, d1) -> (0, 0)>
module attributes {stable_mosaic.version = 14 : i64} {
  func.func @gather_k(%arg0: i32, %arg1: i32, %arg2: memref<6144xi32, #tpu.memory_space<hbm>>, %arg3: memref<1024x128xf32, #tpu.memory_space<hbm>>, %arg4: memref<6144x128xf32, #tpu.memory_space<hbm>>, %arg5: memref<192xi32, #tpu.memory_space<vmem>>, %arg6: memref<192x128xf32, #tpu.memory_space<vmem>>, %arg7: memref<!tpu.dma_semaphore, #tpu.memory_space<semaphore_mem>>) attributes {dimension_semantics = [#tpu.dimension_semantics<core_parallel>, #tpu.dimension_semantics<subcore_parallel>], iteration_bounds = array<i64: 2, 16>, scalar_prefetch = 0 : i64, scratch_operands = 3 : i64, tpu.core_type = #tpu.core_type<sc_vector_subcore>, window_params = [{transform_indices = #map}, {transform_indices = #map1}, {transform_indices = #map1}]} {
    %mul3A = arith.constant 2 : i32
    %mul3A_0 = arith.muli %arg1, %mul3A : i32
    %add3A = arith.addi %mul3A_0, %arg0 : i32
    %mul3A_1 = arith.constant 192 : i32
    %mul3A_2 = arith.muli %add3A, %mul3A_1 : i32
    "tpu.region"() ({
      %run_scoped3A = tpu.sem_alloc : memref<!tpu.dma_semaphore, #tpu.memory_space<semaphore_mem>>
      %dma_start3A_33 = tpu.memref_slice %arg2[%mul3A_2] : memref<6144xi32, #tpu.memory_space<hbm>> -> memref<192xi32, #tpu.memory_space<hbm>>
      %dma_start3A_34 = tpu.memref_slice %arg2[%mul3A_2] : memref<6144xi32, #tpu.memory_space<hbm>> -> memref<192xi32, #tpu.memory_space<hbm>>
      tpu.enqueue_dma source(%dma_start3A_34 : memref<192xi32, #tpu.memory_space<hbm>>) target(%arg5 : memref<192xi32, #tpu.memory_space<vmem>>) target_semaphore(%run_scoped3A : memref<!tpu.dma_semaphore, #tpu.memory_space<semaphore_mem>>)
      %dma_wait3A_35 = tpu.memref_slice %arg2[%mul3A_2] : memref<6144xi32, #tpu.memory_space<hbm>> -> memref<192xi32, #tpu.memory_space<hbm>>
      %dma_wait3A_36 = tpu.memref_slice %arg2[%mul3A_2] : memref<6144xi32, #tpu.memory_space<hbm>> -> memref<192xi32, #tpu.memory_space<hbm>>
      tpu.wait_dma2 semaphore(%run_scoped3A : memref<!tpu.dma_semaphore, #tpu.memory_space<semaphore_mem>>) src(%dma_wait3A_36 : memref<192xi32, #tpu.memory_space<hbm>>) dst(%arg5 : memref<192xi32, #tpu.memory_space<vmem>>)
      tpu.yield
    }) : () -> ()
    %dma_start3A = arith.constant 0 : i32
    %dma_start3A_3 = arith.constant 0 : i32
    %dma_start3A_4 = tpu.memref_slice %arg6[%dma_start3A, %dma_start3A_3] : memref<192x128xf32, #tpu.memory_space<vmem>> -> memref<96x128xf32, #tpu.memory_space<vmem>>
    %dma_start3A_5 = arith.constant 0 : i32
    %dma_start3A_6 = tpu.memref_slice %arg5[%dma_start3A_5] : memref<192xi32, #tpu.memory_space<vmem>> -> memref<96xi32, #tpu.memory_space<vmem>>
    %dma_start3A_7 = arith.constant 0 : i32
    %dma_start3A_8 = arith.constant 0 : i32
    %dma_start3A_9 = tpu.memref_slice %arg3[%dma_start3A_7, %dma_start3A_8] : memref<1024x128xf32, #tpu.memory_space<hbm>> -> memref<1024x128xf32, #tpu.memory_space<hbm>>
    tpu.enqueue_indirect_dma source(%dma_start3A_9 : memref<1024x128xf32, #tpu.memory_space<hbm>>) target(%dma_start3A_4 : memref<96x128xf32, #tpu.memory_space<vmem>>) offsets(%dma_start3A_6 : memref<96xi32, #tpu.memory_space<vmem>>) semaphore(%arg7 : memref<!tpu.dma_semaphore, #tpu.memory_space<semaphore_mem>>)
    %dma_start3A_10 = arith.constant 96 : i32
    %dma_start3A_11 = arith.constant 0 : i32
    %dma_start3A_12 = tpu.memref_slice %arg6[%dma_start3A_10, %dma_start3A_11] : memref<192x128xf32, #tpu.memory_space<vmem>> -> memref<96x128xf32, #tpu.memory_space<vmem>>
    %dma_start3A_13 = arith.constant 96 : i32
    %dma_start3A_14 = tpu.memref_slice %arg5[%dma_start3A_13] : memref<192xi32, #tpu.memory_space<vmem>> -> memref<96xi32, #tpu.memory_space<vmem>>
    %dma_start3A_15 = arith.constant 0 : i32
    %dma_start3A_16 = arith.constant 0 : i32
    %dma_start3A_17 = tpu.memref_slice %arg3[%dma_start3A_15, %dma_start3A_16] : memref<1024x128xf32, #tpu.memory_space<hbm>> -> memref<1024x128xf32, #tpu.memory_space<hbm>>
    tpu.enqueue_indirect_dma source(%dma_start3A_17 : memref<1024x128xf32, #tpu.memory_space<hbm>>) target(%dma_start3A_12 : memref<96x128xf32, #tpu.memory_space<vmem>>) offsets(%dma_start3A_14 : memref<96xi32, #tpu.memory_space<vmem>>) semaphore(%arg7 : memref<!tpu.dma_semaphore, #tpu.memory_space<semaphore_mem>>)
    %dma_wait3A = arith.constant 0 : i32
    %dma_wait3A_18 = arith.constant 0 : i32
    %dma_wait3A_19 = tpu.memref_slice %arg6[%dma_wait3A, %dma_wait3A_18] : memref<192x128xf32, #tpu.memory_space<vmem>> -> memref<96x128xf32, #tpu.memory_space<vmem>>
    %dma_wait3A_20 = arith.constant 0 : i32
    %dma_wait3A_21 = tpu.memref_slice %arg5[%dma_wait3A_20] : memref<192xi32, #tpu.memory_space<vmem>> -> memref<96xi32, #tpu.memory_space<vmem>>
    %dma_wait3A_22 = arith.constant 0 : i32
    %dma_wait3A_23 = arith.constant 0 : i32
    %dma_wait3A_24 = tpu.memref_slice %arg3[%dma_wait3A_22, %dma_wait3A_23] : memref<1024x128xf32, #tpu.memory_space<hbm>> -> memref<1024x128xf32, #tpu.memory_space<hbm>>
    tpu.wait_indirect_dma semaphore(%arg7 : memref<!tpu.dma_semaphore, #tpu.memory_space<semaphore_mem>>) src(%dma_wait3A_24 : memref<1024x128xf32, #tpu.memory_space<hbm>>) dst(%dma_wait3A_19 : memref<96x128xf32, #tpu.memory_space<vmem>>)
    %dma_wait3A_25 = arith.constant 96 : i32
    %dma_wait3A_26 = arith.constant 0 : i32
    %dma_wait3A_27 = tpu.memref_slice %arg6[%dma_wait3A_25, %dma_wait3A_26] : memref<192x128xf32, #tpu.memory_space<vmem>> -> memref<96x128xf32, #tpu.memory_space<vmem>>
    %dma_wait3A_28 = arith.constant 96 : i32
    %dma_wait3A_29 = tpu.memref_slice %arg5[%dma_wait3A_28] : memref<192xi32, #tpu.memory_space<vmem>> -> memref<96xi32, #tpu.memory_space<vmem>>
    %dma_wait3A_30 = arith.constant 0 : i32
    %dma_wait3A_31 = arith.constant 0 : i32
    %dma_wait3A_32 = tpu.memref_slice %arg3[%dma_wait3A_30, %dma_wait3A_31] : memref<1024x128xf32, #tpu.memory_space<hbm>> -> memref<1024x128xf32, #tpu.memory_space<hbm>>
    tpu.wait_indirect_dma semaphore(%arg7 : memref<!tpu.dma_semaphore, #tpu.memory_space<semaphore_mem>>) src(%dma_wait3A_32 : memref<1024x128xf32, #tpu.memory_space<hbm>>) dst(%dma_wait3A_27 : memref<96x128xf32, #tpu.memory_space<vmem>>)
    "tpu.region"() ({
      %run_scoped3A = tpu.sem_alloc : memref<!tpu.dma_semaphore, #tpu.memory_space<semaphore_mem>>
      %dma_start3A_33 = arith.constant 0 : i32
      %dma_start3A_34 = tpu.memref_slice %arg4[%mul3A_2, %dma_start3A_33] : memref<6144x128xf32, #tpu.memory_space<hbm>> -> memref<192x128xf32, #tpu.memory_space<hbm>>
      %dma_start3A_35 = arith.constant 0 : i32
      %dma_start3A_36 = tpu.memref_slice %arg4[%mul3A_2, %dma_start3A_35] : memref<6144x128xf32, #tpu.memory_space<hbm>> -> memref<192x128xf32, #tpu.memory_space<hbm>>
      tpu.enqueue_dma source(%arg6 : memref<192x128xf32, #tpu.memory_space<vmem>>) target(%dma_start3A_36 : memref<192x128xf32, #tpu.memory_space<hbm>>) target_semaphore(%run_scoped3A : memref<!tpu.dma_semaphore, #tpu.memory_space<semaphore_mem>>)
      %dma_wait3A_37 = arith.constant 0 : i32
      %dma_wait3A_38 = tpu.memref_slice %arg4[%mul3A_2, %dma_wait3A_37] : memref<6144x128xf32, #tpu.memory_space<hbm>> -> memref<192x128xf32, #tpu.memory_space<hbm>>
      %dma_wait3A_39 = arith.constant 0 : i32
      %dma_wait3A_40 = tpu.memref_slice %arg4[%mul3A_2, %dma_wait3A_39] : memref<6144x128xf32, #tpu.memory_space<hbm>> -> memref<192x128xf32, #tpu.memory_space<hbm>>
      tpu.wait_dma2 semaphore(%run_scoped3A : memref<!tpu.dma_semaphore, #tpu.memory_space<semaphore_mem>>) src(%arg6 : memref<192x128xf32, #tpu.memory_space<vmem>>) dst(%dma_wait3A_40 : memref<192x128xf32, #tpu.memory_space<hbm>>)
      tpu.yield
    }) : () -> ()
    return
  }
}

#map = affine_map<(d0, d1) -> (0)>
#map1 = affine_map<(d0, d1) -> (0, 0)>
module attributes {stable_mosaic.version = 14 : i64} {
  func.func @gather_k(%arg0: i32, %arg1: i32, %arg2: memref<12288xi32, #tpu.memory_space<hbm>>, %arg3: memref<1024x128xf32, #tpu.memory_space<hbm>>, %arg4: memref<12288x128xf32, #tpu.memory_space<hbm>>, %arg5: memref<384xi32, #tpu.memory_space<vmem>>, %arg6: memref<384x128xf32, #tpu.memory_space<vmem>>, %arg7: memref<!tpu.dma_semaphore, #tpu.memory_space<semaphore_mem>>) attributes {dimension_semantics = [#tpu.dimension_semantics<core_parallel>, #tpu.dimension_semantics<subcore_parallel>], iteration_bounds = array<i64: 2, 16>, scalar_prefetch = 0 : i64, scratch_operands = 3 : i64, tpu.core_type = #tpu.core_type<sc_vector_subcore>, window_params = [{transform_indices = #map}, {transform_indices = #map1}, {transform_indices = #map1}]} {
    %mul3A = arith.constant 2 : i32
    %mul3A_0 = arith.muli %arg1, %mul3A : i32
    %add3A = arith.addi %mul3A_0, %arg0 : i32
    %mul3A_1 = arith.constant 384 : i32
    %mul3A_2 = arith.muli %add3A, %mul3A_1 : i32
    "tpu.region"() ({
      %run_scoped3A = tpu.sem_alloc : memref<!tpu.dma_semaphore, #tpu.memory_space<semaphore_mem>>
      %dma_start3A_65 = tpu.memref_slice %arg2[%mul3A_2] : memref<12288xi32, #tpu.memory_space<hbm>> -> memref<384xi32, #tpu.memory_space<hbm>>
      %dma_start3A_66 = tpu.memref_slice %arg2[%mul3A_2] : memref<12288xi32, #tpu.memory_space<hbm>> -> memref<384xi32, #tpu.memory_space<hbm>>
      tpu.enqueue_dma source(%dma_start3A_66 : memref<384xi32, #tpu.memory_space<hbm>>) target(%arg5 : memref<384xi32, #tpu.memory_space<vmem>>) target_semaphore(%run_scoped3A : memref<!tpu.dma_semaphore, #tpu.memory_space<semaphore_mem>>)
      %dma_wait3A_67 = tpu.memref_slice %arg2[%mul3A_2] : memref<12288xi32, #tpu.memory_space<hbm>> -> memref<384xi32, #tpu.memory_space<hbm>>
      %dma_wait3A_68 = tpu.memref_slice %arg2[%mul3A_2] : memref<12288xi32, #tpu.memory_space<hbm>> -> memref<384xi32, #tpu.memory_space<hbm>>
      tpu.wait_dma2 semaphore(%run_scoped3A : memref<!tpu.dma_semaphore, #tpu.memory_space<semaphore_mem>>) src(%dma_wait3A_68 : memref<384xi32, #tpu.memory_space<hbm>>) dst(%arg5 : memref<384xi32, #tpu.memory_space<vmem>>)
      tpu.yield
    }) : () -> ()
    %dma_start3A = arith.constant 0 : i32
    %dma_start3A_3 = arith.constant 0 : i32
    %dma_start3A_4 = tpu.memref_slice %arg6[%dma_start3A, %dma_start3A_3] : memref<384x128xf32, #tpu.memory_space<vmem>> -> memref<96x128xf32, #tpu.memory_space<vmem>>
    %dma_start3A_5 = arith.constant 0 : i32
    %dma_start3A_6 = tpu.memref_slice %arg5[%dma_start3A_5] : memref<384xi32, #tpu.memory_space<vmem>> -> memref<96xi32, #tpu.memory_space<vmem>>
    %dma_start3A_7 = arith.constant 0 : i32
    %dma_start3A_8 = arith.constant 0 : i32
    %dma_start3A_9 = tpu.memref_slice %arg3[%dma_start3A_7, %dma_start3A_8] : memref<1024x128xf32, #tpu.memory_space<hbm>> -> memref<1024x128xf32, #tpu.memory_space<hbm>>
    tpu.enqueue_indirect_dma source(%dma_start3A_9 : memref<1024x128xf32, #tpu.memory_space<hbm>>) target(%dma_start3A_4 : memref<96x128xf32, #tpu.memory_space<vmem>>) offsets(%dma_start3A_6 : memref<96xi32, #tpu.memory_space<vmem>>) semaphore(%arg7 : memref<!tpu.dma_semaphore, #tpu.memory_space<semaphore_mem>>)
    %dma_start3A_10 = arith.constant 96 : i32
    %dma_start3A_11 = arith.constant 0 : i32
    %dma_start3A_12 = tpu.memref_slice %arg6[%dma_start3A_10, %dma_start3A_11] : memref<384x128xf32, #tpu.memory_space<vmem>> -> memref<96x128xf32, #tpu.memory_space<vmem>>
    %dma_start3A_13 = arith.constant 96 : i32
    %dma_start3A_14 = tpu.memref_slice %arg5[%dma_start3A_13] : memref<384xi32, #tpu.memory_space<vmem>> -> memref<96xi32, #tpu.memory_space<vmem>>
    %dma_start3A_15 = arith.constant 0 : i32
    %dma_start3A_16 = arith.constant 0 : i32
    %dma_start3A_17 = tpu.memref_slice %arg3[%dma_start3A_15, %dma_start3A_16] : memref<1024x128xf32, #tpu.memory_space<hbm>> -> memref<1024x128xf32, #tpu.memory_space<hbm>>
    tpu.enqueue_indirect_dma source(%dma_start3A_17 : memref<1024x128xf32, #tpu.memory_space<hbm>>) target(%dma_start3A_12 : memref<96x128xf32, #tpu.memory_space<vmem>>) offsets(%dma_start3A_14 : memref<96xi32, #tpu.memory_space<vmem>>) semaphore(%arg7 : memref<!tpu.dma_semaphore, #tpu.memory_space<semaphore_mem>>)
    %dma_start3A_18 = arith.constant 192 : i32
    %dma_start3A_19 = arith.constant 0 : i32
    %dma_start3A_20 = tpu.memref_slice %arg6[%dma_start3A_18, %dma_start3A_19] : memref<384x128xf32, #tpu.memory_space<vmem>> -> memref<96x128xf32, #tpu.memory_space<vmem>>
    %dma_start3A_21 = arith.constant 192 : i32
    %dma_start3A_22 = tpu.memref_slice %arg5[%dma_start3A_21] : memref<384xi32, #tpu.memory_space<vmem>> -> memref<96xi32, #tpu.memory_space<vmem>>
    %dma_start3A_23 = arith.constant 0 : i32
    %dma_start3A_24 = arith.constant 0 : i32
    %dma_start3A_25 = tpu.memref_slice %arg3[%dma_start3A_23, %dma_start3A_24] : memref<1024x128xf32, #tpu.memory_space<hbm>> -> memref<1024x128xf32, #tpu.memory_space<hbm>>
    tpu.enqueue_indirect_dma source(%dma_start3A_25 : memref<1024x128xf32, #tpu.memory_space<hbm>>) target(%dma_start3A_20 : memref<96x128xf32, #tpu.memory_space<vmem>>) offsets(%dma_start3A_22 : memref<96xi32, #tpu.memory_space<vmem>>) semaphore(%arg7 : memref<!tpu.dma_semaphore, #tpu.memory_space<semaphore_mem>>)
    %dma_start3A_26 = arith.constant 288 : i32
    %dma_start3A_27 = arith.constant 0 : i32
    %dma_start3A_28 = tpu.memref_slice %arg6[%dma_start3A_26, %dma_start3A_27] : memref<384x128xf32, #tpu.memory_space<vmem>> -> memref<96x128xf32, #tpu.memory_space<vmem>>
    %dma_start3A_29 = arith.constant 288 : i32
    %dma_start3A_30 = tpu.memref_slice %arg5[%dma_start3A_29] : memref<384xi32, #tpu.memory_space<vmem>> -> memref<96xi32, #tpu.memory_space<vmem>>
    %dma_start3A_31 = arith.constant 0 : i32
    %dma_start3A_32 = arith.constant 0 : i32
    %dma_start3A_33 = tpu.memref_slice %arg3[%dma_start3A_31, %dma_start3A_32] : memref<1024x128xf32, #tpu.memory_space<hbm>> -> memref<1024x128xf32, #tpu.memory_space<hbm>>
    tpu.enqueue_indirect_dma source(%dma_start3A_33 : memref<1024x128xf32, #tpu.memory_space<hbm>>) target(%dma_start3A_28 : memref<96x128xf32, #tpu.memory_space<vmem>>) offsets(%dma_start3A_30 : memref<96xi32, #tpu.memory_space<vmem>>) semaphore(%arg7 : memref<!tpu.dma_semaphore, #tpu.memory_space<semaphore_mem>>)
    %dma_wait3A = arith.constant 0 : i32
    %dma_wait3A_34 = arith.constant 0 : i32
    %dma_wait3A_35 = tpu.memref_slice %arg6[%dma_wait3A, %dma_wait3A_34] : memref<384x128xf32, #tpu.memory_space<vmem>> -> memref<96x128xf32, #tpu.memory_space<vmem>>
    %dma_wait3A_36 = arith.constant 0 : i32
    %dma_wait3A_37 = tpu.memref_slice %arg5[%dma_wait3A_36] : memref<384xi32, #tpu.memory_space<vmem>> -> memref<96xi32, #tpu.memory_space<vmem>>
    %dma_wait3A_38 = arith.constant 0 : i32
    %dma_wait3A_39 = arith.constant 0 : i32
    %dma_wait3A_40 = tpu.memref_slice %arg3[%dma_wait3A_38, %dma_wait3A_39] : memref<1024x128xf32, #tpu.memory_space<hbm>> -> memref<1024x128xf32, #tpu.memory_space<hbm>>
    tpu.wait_indirect_dma semaphore(%arg7 : memref<!tpu.dma_semaphore, #tpu.memory_space<semaphore_mem>>) src(%dma_wait3A_40 : memref<1024x128xf32, #tpu.memory_space<hbm>>) dst(%dma_wait3A_35 : memref<96x128xf32, #tpu.memory_space<vmem>>)
    %dma_wait3A_41 = arith.constant 96 : i32
    %dma_wait3A_42 = arith.constant 0 : i32
    %dma_wait3A_43 = tpu.memref_slice %arg6[%dma_wait3A_41, %dma_wait3A_42] : memref<384x128xf32, #tpu.memory_space<vmem>> -> memref<96x128xf32, #tpu.memory_space<vmem>>
    %dma_wait3A_44 = arith.constant 96 : i32
    %dma_wait3A_45 = tpu.memref_slice %arg5[%dma_wait3A_44] : memref<384xi32, #tpu.memory_space<vmem>> -> memref<96xi32, #tpu.memory_space<vmem>>
    %dma_wait3A_46 = arith.constant 0 : i32
    %dma_wait3A_47 = arith.constant 0 : i32
    %dma_wait3A_48 = tpu.memref_slice %arg3[%dma_wait3A_46, %dma_wait3A_47] : memref<1024x128xf32, #tpu.memory_space<hbm>> -> memref<1024x128xf32, #tpu.memory_space<hbm>>
    tpu.wait_indirect_dma semaphore(%arg7 : memref<!tpu.dma_semaphore, #tpu.memory_space<semaphore_mem>>) src(%dma_wait3A_48 : memref<1024x128xf32, #tpu.memory_space<hbm>>) dst(%dma_wait3A_43 : memref<96x128xf32, #tpu.memory_space<vmem>>)
    %dma_wait3A_49 = arith.constant 192 : i32
    %dma_wait3A_50 = arith.constant 0 : i32
    %dma_wait3A_51 = tpu.memref_slice %arg6[%dma_wait3A_49, %dma_wait3A_50] : memref<384x128xf32, #tpu.memory_space<vmem>> -> memref<96x128xf32, #tpu.memory_space<vmem>>
    %dma_wait3A_52 = arith.constant 192 : i32
    %dma_wait3A_53 = tpu.memref_slice %arg5[%dma_wait3A_52] : memref<384xi32, #tpu.memory_space<vmem>> -> memref<96xi32, #tpu.memory_space<vmem>>
    %dma_wait3A_54 = arith.constant 0 : i32
    %dma_wait3A_55 = arith.constant 0 : i32
    %dma_wait3A_56 = tpu.memref_slice %arg3[%dma_wait3A_54, %dma_wait3A_55] : memref<1024x128xf32, #tpu.memory_space<hbm>> -> memref<1024x128xf32, #tpu.memory_space<hbm>>
    tpu.wait_indirect_dma semaphore(%arg7 : memref<!tpu.dma_semaphore, #tpu.memory_space<semaphore_mem>>) src(%dma_wait3A_56 : memref<1024x128xf32, #tpu.memory_space<hbm>>) dst(%dma_wait3A_51 : memref<96x128xf32, #tpu.memory_space<vmem>>)
    %dma_wait3A_57 = arith.constant 288 : i32
    %dma_wait3A_58 = arith.constant 0 : i32
    %dma_wait3A_59 = tpu.memref_slice %arg6[%dma_wait3A_57, %dma_wait3A_58] : memref<384x128xf32, #tpu.memory_space<vmem>> -> memref<96x128xf32, #tpu.memory_space<vmem>>
    %dma_wait3A_60 = arith.constant 288 : i32
    %dma_wait3A_61 = tpu.memref_slice %arg5[%dma_wait3A_60] : memref<384xi32, #tpu.memory_space<vmem>> -> memref<96xi32, #tpu.memory_space<vmem>>
    %dma_wait3A_62 = arith.constant 0 : i32
    %dma_wait3A_63 = arith.constant 0 : i32
    %dma_wait3A_64 = tpu.memref_slice %arg3[%dma_wait3A_62, %dma_wait3A_63] : memref<1024x128xf32, #tpu.memory_space<hbm>> -> memref<1024x128xf32, #tpu.memory_space<hbm>>
    tpu.wait_indirect_dma semaphore(%arg7 : memref<!tpu.dma_semaphore, #tpu.memory_space<semaphore_mem>>) src(%dma_wait3A_64 : memref<1024x128xf32, #tpu.memory_space<hbm>>) dst(%dma_wait3A_59 : memref<96x128xf32, #tpu.memory_space<vmem>>)
    "tpu.region"() ({
      %run_scoped3A = tpu.sem_alloc : memref<!tpu.dma_semaphore, #tpu.memory_space<semaphore_mem>>
      %dma_start3A_65 = arith.constant 0 : i32
      %dma_start3A_66 = tpu.memref_slice %arg4[%mul3A_2, %dma_start3A_65] : memref<12288x128xf32, #tpu.memory_space<hbm>> -> memref<384x128xf32, #tpu.memory_space<hbm>>
      %dma_start3A_67 = arith.constant 0 : i32
      %dma_start3A_68 = tpu.memref_slice %arg4[%mul3A_2, %dma_start3A_67] : memref<12288x128xf32, #tpu.memory_space<hbm>> -> memref<384x128xf32, #tpu.memory_space<hbm>>
      tpu.enqueue_dma source(%arg6 : memref<384x128xf32, #tpu.memory_space<vmem>>) target(%dma_start3A_68 : memref<384x128xf32, #tpu.memory_space<hbm>>) target_semaphore(%run_scoped3A : memref<!tpu.dma_semaphore, #tpu.memory_space<semaphore_mem>>)
      %dma_wait3A_69 = arith.constant 0 : i32
      %dma_wait3A_70 = tpu.memref_slice %arg4[%mul3A_2, %dma_wait3A_69] : memref<12288x128xf32, #tpu.memory_space<hbm>> -> memref<384x128xf32, #tpu.memory_space<hbm>>
      %dma_wait3A_71 = arith.constant 0 : i32
      %dma_wait3A_72 = tpu.memref_slice %arg4[%mul3A_2, %dma_wait3A_71] : memref<12288x128xf32, #tpu.memory_space<hbm>> -> memref<384x128xf32, #tpu.memory_space<hbm>>
      tpu.wait_dma2 semaphore(%run_scoped3A : memref<!tpu.dma_semaphore, #tpu.memory_space<semaphore_mem>>) src(%arg6 : memref<384x128xf32, #tpu.memory_space<vmem>>) dst(%dma_wait3A_72 : memref<384x128xf32, #tpu.memory_space<hbm>>)
      tpu.yield
    }) : () -> ()
    return
  }
}

module attributes {stable_mosaic.version = 14 : i64} {
  func.func @_tp_body_first(%arg0: i32, %arg1: memref<3072x128xf32, #tpu.memory_space<vmem>>, %arg2: memref<64x3072xf32, #tpu.memory_space<vmem>>) attributes {dimension_semantics = [#tpu.dimension_semantics<arbitrary>], iteration_bounds = array<i64: 2>, scalar_prefetch = 0 : i64, scratch_operands = 0 : i64, tpu.core_type = #tpu.core_type<tc>, window_params = [{transform_indices = @transform_0, window_bounds = array<i64: 3072, 128>}, {transform_indices = @transform_1, window_bounds = array<i64: 64, 3072>}]} {
    %get3A = arith.constant 0 : index
    %get3A_0 = arith.constant 0 : index
    %get3A_1 = vector.load %arg1[%get3A, %get3A_0] : memref<3072x128xf32, #tpu.memory_space<vmem>>, vector<3072x128xf32>
    %slice3A = vector.extract_strided_slice %get3A_1 {offsets = [0, 0], sizes = [3072, 64], strides = [1, 1]} : vector<3072x128xf32> to vector<3072x64xf32>
    %transpose3A = tpu.transpose %slice3A, [1, 0] : vector<3072x64xf32> -> vector<64x3072xf32>
    %swap3A = arith.constant 0 : index
    %swap3A_2 = arith.constant 0 : index
    %swap3A_3 = vector.load %arg2[%swap3A, %swap3A_2] : memref<64x3072xf32, #tpu.memory_space<vmem>>, vector<64x3072xf32>
    tpu.vector_store %arg2[%swap3A, %swap3A_2], %transpose3A {strides = array<i32>} : memref<64x3072xf32, #tpu.memory_space<vmem>>, vector<64x3072xf32>,
    return
  }
  func.func @transform_0(%arg0: i32) -> (i32, i32) {
    %c0_i32 = arith.constant 0 : i32
    %c0_i32_0 = arith.constant 0 : i32
    return %arg0, %c0_i32 : i32, i32
  }
  func.func @transform_1(%arg0: i32) -> (i32, i32) {
    %c0_i32 = arith.constant 0 : i32
    %c0_i32_0 = arith.constant 0 : i32
    return %c0_i32, %arg0 : i32, i32
  }
}

module attributes {stable_mosaic.version = 14 : i64} {
  func.func @_tc_body(%arg0: i32, %arg1: memref<64x3072xf32, #tpu.memory_space<vmem>>, %arg2: memref<64x1024xf32, #tpu.memory_space<vmem>>, %arg3: memref<1024x1xf32, #tpu.memory_space<vmem>>, %arg4: memref<1x1x3072xi32, #tpu.memory_space<vmem>>, %arg5: memref<1x1xf32, #tpu.memory_space<vmem>>) attributes {dimension_semantics = [#tpu.dimension_semantics<arbitrary>], iteration_bounds = array<i64: 4>, scalar_prefetch = 0 : i64, scratch_operands = 0 : i64, tpu.core_type = #tpu.core_type<tc>, window_params = [{transform_indices = @transform_0, window_bounds = array<i64: 64, 3072>}, {pipeline_mode = #tpu.pipeline_mode<synchronous>, transform_indices = @transform_1, window_bounds = array<i64: 64, 1024>}, {pipeline_mode = #tpu.pipeline_mode<synchronous>, transform_indices = @transform_2, window_bounds = array<i64: 1024, 1>}, {transform_indices = @transform_3, window_bounds = array<i64: 1, 1, 3072>}, {pipeline_mode = #tpu.pipeline_mode<synchronous>, transform_indices = @transform_4, window_bounds = array<i64: 1, 1>}]} {
    %get3A = arith.constant 0 : index
    %get3A_0 = arith.constant 0 : index
    %get3A_1 = vector.load %arg1[%get3A, %get3A_0] : memref<64x3072xf32, #tpu.memory_space<vmem>>, vector<64x3072xf32>
    %get3A_2 = arith.constant 0 : index
    %get3A_3 = arith.constant 0 : index
    %get3A_4 = vector.load %arg2[%get3A_2, %get3A_3] : memref<64x1024xf32, #tpu.memory_space<vmem>>, vector<64x1024xf32>
    %dot_general3A = arith.constant dense<0.000000e+00> : vector<1024x3072xf32>
    %dot_general3A_5 = tpu.matmul %get3A_4, %get3A_1, %dot_general3A {dimension_numbers = #tpu.dot_dimension_numbers<[0], [0], [1], [1], [0, 1, 1, 1], [], []>, transpose_lhs_hint = false} : vector<64x1024xf32>, vector<64x3072xf32>, vector<1024x3072xf32> -> vector<1024x3072xf32>
    %mul3A = arith.mulf %get3A_1, %get3A_1 : vector<64x3072xf32>
    %reduce_sum3A = arith.constant dense<0.000000e+00> : vector<3072xf32>
    %reduce_sum3A_6 = vector.multi_reduction <add>, %mul3A, %reduce_sum3A [0] : vector<64x3072xf32> to vector<3072xf32>
    %broadcast_in_dim3A = vector.shape_cast %reduce_sum3A_6 : vector<3072xf32> to vector<1x3072xf32>
    %get3A_7 = arith.constant 0 : index
    %get3A_8 = arith.constant 0 : index
    %get3A_9 = vector.load %arg3[%get3A_7, %get3A_8] : memref<1024x1xf32, #tpu.memory_space<vmem>>, vector<1024x1xf32>
    %add3A = vector.broadcast %broadcast_in_dim3A : vector<1x3072xf32> to vector<1024x3072xf32>
    %add3A_10 = vector.broadcast %get3A_9 : vector<1024x1xf32> to vector<1024x3072xf32>
    %add3A_11 = arith.addf %add3A, %add3A_10 : vector<1024x3072xf32>
    %sub3A = arith.subf %add3A_11, %dot_general3A_5 : vector<1024x3072xf32>
    %reduce_min3A = arith.constant dense<0x7F800000> : vector<3072xf32>
    %reduce_min3A_12 = vector.multi_reduction <minimumf>, %sub3A, %reduce_min3A [0] : vector<1024x3072xf32> to vector<3072xf32>
    %broadcast_in_dim3A_13 = vector.shape_cast %reduce_min3A_12 : vector<3072xf32> to vector<1x3072xf32>
    %argmin3A = tpu.reduce_index %sub3A {axis = 0 : i32, kind = #tpu.reduction_kind<arg_min>} : vector<1024x3072xf32> -> vector<3072xi32>
    %reshape3A = vector.shape_cast %argmin3A : vector<3072xi32> to vector<1x3072xi32>
    %broadcast_in_dim3A_14 = vector.shape_cast %reshape3A : vector<1x3072xi32> to vector<1x1x3072xi32>
    %swap3A = arith.constant 0 : index
    %swap3A_15 = arith.constant 0 : index
    %swap3A_16 = arith.constant 0 : index
    %swap3A_17 = vector.load %arg4[%swap3A, %swap3A_15, %swap3A_16] : memref<1x1x3072xi32, #tpu.memory_space<vmem>>, vector<1x1x3072xi32>
    tpu.vector_store %arg4[%swap3A, %swap3A_15, %swap3A_16], %broadcast_in_dim3A_14 {strides = array<i32>} : memref<1x1x3072xi32, #tpu.memory_space<vmem>>, vector<1x1x3072xi32>,
    %eq3A = arith.constant 0 : i32
    %eq3A_18 = arith.cmpi eq, %arg0, %eq3A : i32
    %convert_element_type3A = arith.extui %eq3A_18 : i1 to i32
    %cond3A = arith.constant 0 : i32
    %cond3A_19 = arith.cmpi ne, %convert_element_type3A, %cond3A : i32
    scf.if %cond3A_19 {
      %broadcast_in_dim3A_33 = arith.constant 0.000000e+00 : f32
      %broadcast_in_dim3A_34 = vector.broadcast %broadcast_in_dim3A_33 : f32 to vector<1x1xf32>
      %swap3A_35 = arith.constant 0 : index
      %swap3A_36 = arith.constant 0 : index
      %swap3A_37 = vector.load %arg5[%swap3A_35, %swap3A_36] : memref<1x1xf32, #tpu.memory_space<vmem>>, vector<1x1xf32>
      tpu.vector_store %arg5[%swap3A_35, %swap3A_36], %broadcast_in_dim3A_34 {strides = array<i32>} : memref<1x1xf32, #tpu.memory_space<vmem>>, vector<1x1xf32>,
    } else {
    }
    %get3A_20 = arith.constant 0 : index
    %get3A_21 = arith.constant 0 : index
    %get3A_22 = vector.load %arg5[%get3A_20, %get3A_21] : memref<1x1xf32, #tpu.memory_space<vmem>>, vector<1x1xf32>
    %reduce_sum3A_23 = vector.shape_cast %broadcast_in_dim3A_13 : vector<1x3072xf32> to vector<1x1x3072xf32>
    %reduce_sum3A_24 = arith.constant dense<0.000000e+00> : vector<1xf32>
    %reduce_sum3A_25 = vector.multi_reduction <add>, %reduce_sum3A_23, %reduce_sum3A_24 [1, 2] : vector<1x1x3072xf32> to vector<1xf32>
    %reduce_sum3A_26 = vector.shape_cast %reduce_sum3A_25 : vector<1xf32> to vector<1x1x1xf32>
    %reduce_sum3A_27 = vector.extract %reduce_sum3A_26[0, 0, 0] : f32 from vector<1x1x1xf32>
    %add3A_28 = vector.broadcast %reduce_sum3A_27 : f32 to vector<1x1xf32>
    %add3A_29 = arith.addf %get3A_22, %add3A_28 : vector<1x1xf32>
    %swap3A_30 = arith.constant 0 : index
    %swap3A_31 = arith.constant 0 : index
    %swap3A_32 = vector.load %arg5[%swap3A_30, %swap3A_31] : memref<1x1xf32, #tpu.memory_space<vmem>>, vector<1x1xf32>
    tpu.vector_store %arg5[%swap3A_30, %swap3A_31], %add3A_29 {strides = array<i32>} : memref<1x1xf32, #tpu.memory_space<vmem>>, vector<1x1xf32>,
    return
  }
  func.func @transform_0(%arg0: i32) -> (i32, i32) {
    %add3A = arith.constant 2 : i32
    %add3A_0 = arith.addi %arg0, %add3A : i32
    %c0_i32 = arith.constant 0 : i32
    %c0_i32_1 = arith.constant 0 : i32
    return %c0_i32, %add3A_0 : i32, i32
  }
  func.func @transform_1(%arg0: i32) -> (i32, i32) {
    %c0_i32 = arith.constant 0 : i32
    %c0_i32_0 = arith.constant 0 : i32
    %c0_i32_1 = arith.constant 0 : i32
    return %c0_i32, %c0_i32_0 : i32, i32
  }
  func.func @transform_2(%arg0: i32) -> (i32, i32) {
    %c0_i32 = arith.constant 0 : i32
    %c0_i32_0 = arith.constant 0 : i32
    %c0_i32_1 = arith.constant 0 : i32
    return %c0_i32, %c0_i32_0 : i32, i32
  }
  func.func @transform_3(%arg0: i32) -> (i32, i32, i32) {
    %c0_i32 = arith.constant 0 : i32
    %c0_i32_0 = arith.constant 0 : i32
    %c0_i32_1 = arith.constant 0 : i32
    return %arg0, %c0_i32, %c0_i32_0 : i32, i32, i32
  }
  func.func @transform_4(%arg0: i32) -> (i32, i32) {
    %c0_i32 = arith.constant 0 : i32
    %c0_i32_0 = arith.constant 0 : i32
    %c0_i32_1 = arith.constant 0 : i32
    return %c0_i32, %c0_i32_0 : i32, i32
  }
}

module attributes {stable_mosaic.version = 14 : i64} {
  func.func @_tc_body(%arg0: i32, %arg1: memref<64x3072xf32, #tpu.memory_space<vmem>>, %arg2: memref<64x1024xf32, #tpu.memory_space<vmem>>, %arg3: memref<1024x1xf32, #tpu.memory_space<vmem>>, %arg4: memref<1x1x3072xi32, #tpu.memory_space<vmem>>, %arg5: memref<1x1xf32, #tpu.memory_space<vmem>>) attributes {dimension_semantics = [#tpu.dimension_semantics<arbitrary>], iteration_bounds = array<i64: 2>, scalar_prefetch = 0 : i64, scratch_operands = 0 : i64, tpu.core_type = #tpu.core_type<tc>, window_params = [{transform_indices = @transform_0, window_bounds = array<i64: 64, 3072>}, {pipeline_mode = #tpu.pipeline_mode<synchronous>, transform_indices = @transform_1, window_bounds = array<i64: 64, 1024>}, {pipeline_mode = #tpu.pipeline_mode<synchronous>, transform_indices = @transform_2, window_bounds = array<i64: 1024, 1>}, {transform_indices = @transform_3, window_bounds = array<i64: 1, 1, 3072>}, {pipeline_mode = #tpu.pipeline_mode<synchronous>, transform_indices = @transform_4, window_bounds = array<i64: 1, 1>}]} {
    %get3A = arith.constant 0 : index
    %get3A_0 = arith.constant 0 : index
    %get3A_1 = vector.load %arg1[%get3A, %get3A_0] : memref<64x3072xf32, #tpu.memory_space<vmem>>, vector<64x3072xf32>
    %get3A_2 = arith.constant 0 : index
    %get3A_3 = arith.constant 0 : index
    %get3A_4 = vector.load %arg2[%get3A_2, %get3A_3] : memref<64x1024xf32, #tpu.memory_space<vmem>>, vector<64x1024xf32>
    %dot_general3A = arith.constant dense<0.000000e+00> : vector<1024x3072xf32>
    %dot_general3A_5 = tpu.matmul %get3A_4, %get3A_1, %dot_general3A {dimension_numbers = #tpu.dot_dimension_numbers<[0], [0], [1], [1], [0, 1, 1, 1], [], []>, transpose_lhs_hint = false} : vector<64x1024xf32>, vector<64x3072xf32>, vector<1024x3072xf32> -> vector<1024x3072xf32>
    %mul3A = arith.mulf %get3A_1, %get3A_1 : vector<64x3072xf32>
    %reduce_sum3A = arith.constant dense<0.000000e+00> : vector<3072xf32>
    %reduce_sum3A_6 = vector.multi_reduction <add>, %mul3A, %reduce_sum3A [0] : vector<64x3072xf32> to vector<3072xf32>
    %broadcast_in_dim3A = vector.shape_cast %reduce_sum3A_6 : vector<3072xf32> to vector<1x3072xf32>
    %get3A_7 = arith.constant 0 : index
    %get3A_8 = arith.constant 0 : index
    %get3A_9 = vector.load %arg3[%get3A_7, %get3A_8] : memref<1024x1xf32, #tpu.memory_space<vmem>>, vector<1024x1xf32>
    %add3A = vector.broadcast %broadcast_in_dim3A : vector<1x3072xf32> to vector<1024x3072xf32>
    %add3A_10 = vector.broadcast %get3A_9 : vector<1024x1xf32> to vector<1024x3072xf32>
    %add3A_11 = arith.addf %add3A, %add3A_10 : vector<1024x3072xf32>
    %sub3A = arith.subf %add3A_11, %dot_general3A_5 : vector<1024x3072xf32>
    %reduce_min3A = arith.constant dense<0x7F800000> : vector<3072xf32>
    %reduce_min3A_12 = vector.multi_reduction <minimumf>, %sub3A, %reduce_min3A [0] : vector<1024x3072xf32> to vector<3072xf32>
    %broadcast_in_dim3A_13 = vector.shape_cast %reduce_min3A_12 : vector<3072xf32> to vector<1x3072xf32>
    %argmin3A = tpu.reduce_index %sub3A {axis = 0 : i32, kind = #tpu.reduction_kind<arg_min>} : vector<1024x3072xf32> -> vector<3072xi32>
    %reshape3A = vector.shape_cast %argmin3A : vector<3072xi32> to vector<1x3072xi32>
    %broadcast_in_dim3A_14 = vector.shape_cast %reshape3A : vector<1x3072xi32> to vector<1x1x3072xi32>
    %swap3A = arith.constant 0 : index
    %swap3A_15 = arith.constant 0 : index
    %swap3A_16 = arith.constant 0 : index
    %swap3A_17 = vector.load %arg4[%swap3A, %swap3A_15, %swap3A_16] : memref<1x1x3072xi32, #tpu.memory_space<vmem>>, vector<1x1x3072xi32>
    tpu.vector_store %arg4[%swap3A, %swap3A_15, %swap3A_16], %broadcast_in_dim3A_14 {strides = array<i32>} : memref<1x1x3072xi32, #tpu.memory_space<vmem>>, vector<1x1x3072xi32>,
    %eq3A = arith.constant 0 : i32
    %eq3A_18 = arith.cmpi eq, %arg0, %eq3A : i32
    %convert_element_type3A = arith.extui %eq3A_18 : i1 to i32
    %cond3A = arith.constant 0 : i32
    %cond3A_19 = arith.cmpi ne, %convert_element_type3A, %cond3A : i32
    scf.if %cond3A_19 {
      %broadcast_in_dim3A_33 = arith.constant 0.000000e+00 : f32
      %broadcast_in_dim3A_34 = vector.broadcast %broadcast_in_dim3A_33 : f32 to vector<1x1xf32>
      %swap3A_35 = arith.constant 0 : index
      %swap3A_36 = arith.constant 0 : index
      %swap3A_37 = vector.load %arg5[%swap3A_35, %swap3A_36] : memref<1x1xf32, #tpu.memory_space<vmem>>, vector<1x1xf32>
      tpu.vector_store %arg5[%swap3A_35, %swap3A_36], %broadcast_in_dim3A_34 {strides = array<i32>} : memref<1x1xf32, #tpu.memory_space<vmem>>, vector<1x1xf32>,
    } else {
    }
    %get3A_20 = arith.constant 0 : index
    %get3A_21 = arith.constant 0 : index
    %get3A_22 = vector.load %arg5[%get3A_20, %get3A_21] : memref<1x1xf32, #tpu.memory_space<vmem>>, vector<1x1xf32>
    %reduce_sum3A_23 = vector.shape_cast %broadcast_in_dim3A_13 : vector<1x3072xf32> to vector<1x1x3072xf32>
    %reduce_sum3A_24 = arith.constant dense<0.000000e+00> : vector<1xf32>
    %reduce_sum3A_25 = vector.multi_reduction <add>, %reduce_sum3A_23, %reduce_sum3A_24 [1, 2] : vector<1x1x3072xf32> to vector<1xf32>
    %reduce_sum3A_26 = vector.shape_cast %reduce_sum3A_25 : vector<1xf32> to vector<1x1x1xf32>
    %reduce_sum3A_27 = vector.extract %reduce_sum3A_26[0, 0, 0] : f32 from vector<1x1x1xf32>
    %add3A_28 = vector.broadcast %reduce_sum3A_27 : f32 to vector<1x1xf32>
    %add3A_29 = arith.addf %get3A_22, %add3A_28 : vector<1x1xf32>
    %swap3A_30 = arith.constant 0 : index
    %swap3A_31 = arith.constant 0 : index
    %swap3A_32 = vector.load %arg5[%swap3A_30, %swap3A_31] : memref<1x1xf32, #tpu.memory_space<vmem>>, vector<1x1xf32>
    tpu.vector_store %arg5[%swap3A_30, %swap3A_31], %add3A_29 {strides = array<i32>} : memref<1x1xf32, #tpu.memory_space<vmem>>, vector<1x1xf32>,
    return
  }
  func.func @transform_0(%arg0: i32) -> (i32, i32) {
    %add3A = arith.constant 0 : i32
    %add3A_0 = arith.addi %arg0, %add3A : i32
    %c0_i32 = arith.constant 0 : i32
    %c0_i32_1 = arith.constant 0 : i32
    return %c0_i32, %add3A_0 : i32, i32
  }
  func.func @transform_1(%arg0: i32) -> (i32, i32) {
    %c0_i32 = arith.constant 0 : i32
    %c0_i32_0 = arith.constant 0 : i32
    %c0_i32_1 = arith.constant 0 : i32
    return %c0_i32, %c0_i32_0 : i32, i32
  }
  func.func @transform_2(%arg0: i32) -> (i32, i32) {
    %c0_i32 = arith.constant 0 : i32
    %c0_i32_0 = arith.constant 0 : i32
    %c0_i32_1 = arith.constant 0 : i32
    return %c0_i32, %c0_i32_0 : i32, i32
  }
  func.func @transform_3(%arg0: i32) -> (i32, i32, i32) {
    %c0_i32 = arith.constant 0 : i32
    %c0_i32_0 = arith.constant 0 : i32
    %c0_i32_1 = arith.constant 0 : i32
    return %arg0, %c0_i32, %c0_i32_0 : i32, i32, i32
  }
  func.func @transform_4(%arg0: i32) -> (i32, i32) {
    %c0_i32 = arith.constant 0 : i32
    %c0_i32_0 = arith.constant 0 : i32
    %c0_i32_1 = arith.constant 0 : i32
    return %c0_i32, %c0_i32_0 : i32, i32
  }
}

module attributes {stable_mosaic.version = 14 : i64} {
  func.func @_tp_body_second(%arg0: i32, %arg1: memref<3072x128xf32, #tpu.memory_space<vmem>>, %arg2: memref<64x18432xf32, #tpu.memory_space<any>>, %arg3: memref<64x3072xf32, #tpu.memory_space<vmem>>) attributes {dimension_semantics = [#tpu.dimension_semantics<arbitrary>], iteration_bounds = array<i64: 4>, scalar_prefetch = 0 : i64, scratch_operands = 0 : i64, tpu.core_type = #tpu.core_type<tc>, window_params = [{transform_indices = @transform_0, window_bounds = array<i64: 3072, 128>}, {}, {transform_indices = @transform_2, window_bounds = array<i64: 64, 3072>}]} {
    %get3A = arith.constant 0 : index
    %get3A_0 = arith.constant 0 : index
    %get3A_1 = vector.load %arg1[%get3A, %get3A_0] : memref<3072x128xf32, #tpu.memory_space<vmem>>, vector<3072x128xf32>
    %slice3A = vector.extract_strided_slice %get3A_1 {offsets = [0, 0], sizes = [3072, 64], strides = [1, 1]} : vector<3072x128xf32> to vector<3072x64xf32>
    %transpose3A = tpu.transpose %slice3A, [1, 0] : vector<3072x64xf32> -> vector<64x3072xf32>
    %swap3A = arith.constant 0 : index
    %swap3A_2 = arith.constant 0 : index
    %swap3A_3 = vector.load %arg3[%swap3A, %swap3A_2] : memref<64x3072xf32, #tpu.memory_space<vmem>>, vector<64x3072xf32>
    tpu.vector_store %arg3[%swap3A, %swap3A_2], %transpose3A {strides = array<i32>} : memref<64x3072xf32, #tpu.memory_space<vmem>>, vector<64x3072xf32>,
    return
  }
  func.func @transform_0(%arg0: i32) -> (i32, i32) {
    %c0_i32 = arith.constant 0 : i32
    %c0_i32_0 = arith.constant 0 : i32
    return %arg0, %c0_i32 : i32, i32
  }
  func.func @transform_2(%arg0: i32) -> (i32, i32) {
    %add3A = arith.constant 2 : i32
    %add3A_0 = arith.addi %arg0, %add3A : i32
    %c0_i32 = arith.constant 0 : i32
    %c0_i32_1 = arith.constant 0 : i32
    return %c0_i32, %add3A_0 : i32, i32
  }
}

</mosaic_0001>

<sc_bundles>
// kernel: kernel.11.cloned.1.call-start
scs
__scs_entry_jumppad:
0x0: {  	(pc) =	sbr.rel $0x88, $3  }
0x1: {  	(tag) =	ssettag $0x0;
	lr =	simm.s32 $0x1  }
0x2: {  	[smem:$0x3F9F] =	sst lr;
	_ =	strace $0xD0000000  }
0x3: {  	_ = 	snop  }
0x4: {  	_ = 	snop  }
0x5: {  	_ = 	snop  }
0x6: {  	_ = 	snop  }
0x7: {  	_ = 	snop  }
__scs_overlays_trampoline_lowered:
0x8: {  	[smem:$0x3FAE] =	sst s0  }
0x9: {  	[smem:$0x3FAF] =	sst s1  }
0xa: {  	[smem:$0x3FB0] =	sst s2  }
0xb: {  	[smem:$0x3FB1] =	sst s3  }
0xc: {  	[smem:$0x3FB2] =	sst s4  }
0xd: {  	[smem:$0x3FB3] =	sst s5  }
0xe: {  	[smem:$0x3FB4] =	sst s6  }
0xf: {  	[smem:$0x3FB5] =	sst s7  }
0x10: {  	[smem:$0x3FB6] =	sst s8  }
0x11: {  	[smem:$0x3FB7] =	sst s9;
	s0 =	simm.s32 @!p0 $0x0  }
0x12: {  	s1 =	sld [smem:$0x3F9D];
	s0 =	simm.s32 @p0 $0x1  }
0x13: {  	[smem:$0x3FB8] =	sst s0;
	s0 =	simm.s32 @!p1 $0x0  }
0x14: {  	s2 =	sld [smem:$0x3F9C];
	s0 =	simm.s32 @p1 $0x1  }
0x15: {  	[smem:$0x3FB9] =	sst s0;
	s0 =	simm.s32 @!p2 $0x0  }
0x16: {  	s3 =	sld [smem:$0x3FDB];
	s0 =	simm.s32 @p2 $0x1  }
0x17: {  	s4 =	simm.s32 $0x1BF5;
	[smem:$0x3FBB] =	sst s0  }
0x18: {  	s0 =	sld [smem:$0x3F9E];
	_ =	swait.ge [sflag:s4], $0x0  }
0x19: {  	s7 =	sld [smem:$0x3F9F]  }
0x1a: {  	s8 =	sadd.s32 $0xFFFFE003, lr  }
0x1b: {  	s9 =	sadd.s32 $0xFFFFFEF7, lr;
	s5 =	simm.s32 $0xFFFFFFFF;
	p2 =	slt.u32 s8, $0xFFFFF086  }
0x1c: {  	p1 =	slt.u32 s9, $0xF7A;
	s5 =	simm.s32 @!p2 $0x0  }
0x1d: {  	s5 =	simm.s32 @p1 $0x1;
	p0 =	seq.s32 s7, s2  }
0x1e: {  	s7 =	smul.u32 @!p0 $0xF7A, s2;
	p2 =	seq.s32 @!p0 s5, $0x0  }
0x1f: {  	s9 =	smul.u32 $0xF7A, s1;
	s8 =	simm.s32 @!p0 $0x1BF5;
	p2 =	por !p2, p0  }
0x20: {  	[sflag:s8] =	ssyncset.s32 @!p0 $0xFFFFF086;
	s6 =	sadd.s32 @!p0 s3, s7;
	s7 =	simm.s32 @!p0 $0x108  }
0x21: {  	s3 =	sadd.s32 s3, s9;
	s6 =	sadd.s32 @!p0 $0x88, s6;
	s7 =	simm.s32 @p2 $0x1082  }
0x22: {  	[simem:s7], [sflag:s8] =	dma.local @!p0 [hbm:s6], $0xF7A  }
0x23: {  	s9 =	sor.u32 $0xD0000000, s2;
	s6 =	simm.s32 $0x108;
	_ =	swait.ge @!p0 [sflag:s8], $0x0  }
0x24: {  	s3 =	sadd.s32 $0x88, s3;
	s6 =	simm.s32 @!p1 $0x1082;
	[sflag:s4] =	ssyncset.s32 $0xFFFFF086  }
0x25: {  	[simem:s6], [sflag:s4] =	dma.local [hbm:s3], $0xF7A  }
0x26: {  	[smem:$0x3F9F] =	sst s1;
	(tag) =	ssettag s2;
	_ =	strace s9  }
0x27: {  	s1 =	sld [smem:$0x3FAF]  }
0x28: {  	s2 =	sld [smem:$0x3FB0]  }
0x29: {  	s4 =	sld [smem:$0x3FB2]  }
0x2a: {  	p0 =	seq.s32 s5, $0x0;
	s5 =	sld [smem:$0x3FB3]  }
0x2b: {  	s6 =	sld [smem:$0x3FB4]  }
0x2c: {  	s7 =	sld [smem:$0x3FB5]  }
0x2d: {  	s3 =	simm.s32 $0x108;
	s8 =	sld [smem:$0x3FB6]  }
0x2e: {  	s3 =	simm.s32 @!p0 $0x1082;
	s9 =	sld [smem:$0x3FB7]  }
0x2f: {  	lr =	sadd.s32 s0, s3;
	s0 =	sld [smem:$0x3FAE]  }
0x30: {  	s3 =	sld [smem:$0x3FB1]  }
0x31: {  	[smem:$0x3FBA] =	sst s10  }
0x32: {  	s10 =	sld [smem:$0x3FB8];
	_ =	sdelay $0x3  }
0x33: {  	p0 =	seq.s32 s10, $0x1;
	s10 =	sld [smem:$0x3FBA];
	_ =	sdelay $0x3  }
0x34: {  	[smem:$0x3FBA] =	sst s10  }
0x35: {  	s10 =	sld [smem:$0x3FB9];
	_ =	sdelay $0x3  }
0x36: {  	p1 =	seq.s32 s10, $0x1;
	s10 =	sld [smem:$0x3FBA];
	_ =	sdelay $0x3  }
0x37: {  	[smem:$0x3FBA] =	sst s10  }
0x38: {  	s10 =	sld [smem:$0x3FBB]  }
0x39: {  	_ = 	snop;
	(pc) =	sbr.ind lr, $3  }
0x3a: {  	_ = 	snop  }
0x3b: {  	_ = 	snop  }
0x3c: {  	p2 =	seq.s32 s10, $0x1;
	s10 =	sld [smem:$0x3FBA]  }
0x3d: {  	_ =	shalt  }
0x3e: {  	_ =	shalt  }
0x3f: {  	_ =	shalt  }
0x40: {  	_ =	shalt  }
0x41: {  	_ =	shalt  }
0x42: {  	_ =	shalt  }
0x43: {  	_ =	shalt  }
0x44: {  	_ =	shalt  }
0x45: {  	_ =	shalt  }
0x46: {  	_ =	shalt  }
0x47: {  	_ =	shalt  }
0x48: {  	_ =	shalt  }
0x49: {  	_ =	shalt  }
0x4a: {  	_ =	shalt  }
0x4b: {  	_ =	shalt  }
0x4c: {  	_ =	shalt  }
0x4d: {  	_ =	shalt  }
0x4e: {  	_ =	shalt  }
0x4f: {  	_ =	shalt  }
0x50: {  	_ =	shalt  }
0x51: {  	_ =	shalt  }
0x52: {  	_ =	shalt  }
0x53: {  	_ =	shalt  }
0x54: {  	_ =	shalt  }
0x55: {  	_ =	shalt  }
0x56: {  	_ =	shalt  }
0x57: {  	_ =	shalt  }
0x58: {  	_ =	shalt  }
0x59: {  	_ =	shalt  }
0x5a: {  	_ =	shalt  }
0x5b: {  	_ =	shalt  }
0x5c: {  	_ =	shalt  }
0x5d: {  	_ =	shalt  }
0x5e: {  	_ =	shalt  }
0x5f: {  	_ =	shalt  }
0x60: {  	_ =	shalt  }
0x61: {  	_ =	shalt  }
0x62: {  	_ =	shalt  }
0x63: {  	_ =	shalt  }
0x64: {  	_ =	shalt  }
0x65: {  	_ =	shalt  }
0x66: {  	_ =	shalt  }
0x67: {  	_ =	shalt  }
0x68: {  	_ =	shalt  }
0x69: {  	_ =	shalt  }
0x6a: {  	_ =	shalt  }
0x6b: {  	_ =	shalt  }
0x6c: {  	_ =	shalt  }
0x6d: {  	_ =	shalt  }
0x6e: {  	_ =	shalt  }
0x6f: {  	_ =	shalt  }
0x70: {  	_ =	shalt  }
0x71: {  	_ =	shalt  }
0x72: {  	_ =	shalt  }
0x73: {  	_ =	shalt  }
0x74: {  	_ =	shalt  }
0x75: {  	_ =	shalt  }
0x76: {  	_ =	shalt  }
0x77: {  	_ =	shalt  }
0x78: {  	_ =	shalt  }
0x79: {  	_ =	shalt  }
0x7a: {  	_ =	shalt  }
0x7b: {  	_ =	shalt  }
0x7c: {  	_ =	shalt  }
0x7d: {  	_ =	shalt  }
0x7e: {  	_ =	shalt  }
0x7f: {  	_ =	shalt  }
0x80: {  	_ =	shalt  }
0x81: {  	_ =	shalt  }
0x82: {  	_ =	shalt  }
0x83: {  	_ =	shalt  }
0x84: {  	_ =	shalt  }
0x85: {  	_ =	shalt  }
0x86: {  	_ =	shalt  }
0x87: {  	_ =	shalt  }
.Lfunc_end0:
.L_simem_size_0:
called_computation.1_lowered:
.L_overlay_start_0:
0x88: {  	s2 =	sld [smem:$0x3FD9]  }
0x89: {  	s3 =	sld [smem:$0x3FFE];
	_ =	sdelay $0x1  }
0x8a: {  	s1 =	srdreg.scid  }
0x8b: {  	s0 =	sand.u32 $0x1, s1  }
0x8c: {  	s17 =	sshll.u32 s0, $0xA;
	s2 =	sadd.s32 s3, s2  }
0x8d: {  	s2 =	sadd.s32 s2, s17  }
0x8e: {  	[smem:$0x3FC6] =	sst s2  }
0x8f: {  	_ = 	snop  }
0x90: {  	(tm) =	ssettm $0x1  }
0x91: {  	s18 =	sld [smem:$0x3FFB];
	_ =	sdelay $0x3  }
0x92: {  	_ =	strace s18  }
0x93: {  	s2 =	sld [smem:$0x3FFC];
	_ =	sdelay $0x3  }
0x94: {  	_ =	strace s2  }
0x95: {  	s2 =	sld [smem:$0x3FFD];
	_ =	sdelay $0x3  }
0x96: {  	_ =	strace s2  }
0x97: {  	_ =	strace $0x8FFFFFFF  }
0x98: {  	s19 =	sld [smem:$0x3FDB];
	_ =	sdelay $0x1  }
0x99: {  	s20 =	simm.s32 $_scs_section_size  }
0x9a: {  	s4 =	simm.s32 $_size__tile_overlayer_lowered;
	s5 =	simm.s32 $_tile_overlayer_lowered  }
0x9b: {  	s6 =	simm.s32 $0x1BFF;
	s21 =	sshll.u32 s5, $0x1;
	s3 =	sadd.s32 s20, s19  }
0x9c: {  	s22 =	simm.s32 $0x0;
	s4 =	sshll.u32 s4, $0x1;
	s5 =	sadd.s32 s21, s3  }
0x9d: {  	[timem:s22], [sflag:s6] =	dma.local [hbm:s5], s4  }
0x9e: {  	_ =	swait.ge [sflag:s6], s4  }
0x9f: {  	s4 =	ssub.s32 $0x0, s4;
	[sflag:s6] =	ssyncset.done $0x0  }
0xa0: {  	[sflag:s6] =	ssyncadd.s32 s4;
	_ =	sdelay $0x1  }
0xa1: {  	s23 =	simm.s32 $0x1B8B  }
0xa2: {  	_ =	swait.ge [sflag:s23], $0x1  }
0xa3: {  	[sflag:s23] =	ssyncset.done $0x0  }
0xa4: {  	[sflag:s23] =	ssyncadd.s32 $0xFFFFFFFF  }
0xa5: {  	s4 =	sld [smem:$0x0]  }
0xa6: {  	s5 =	sand.u32 $0xFFFFFFFE, s1  }
0xa7: {  	p0 =	sne.s32 s1, s5  }
0xa8: {  	s5 =	sshll.u32 @p0 s5, $0xE  }
0xa9: {  	s5 =	sadd.s32 @p0 $0x11B8D, s5;
	s6 =	sshll.u32 @p0 s4, $0x11  }
0xaa: {  	s5 =	sor.u32 @p0 s6, s5  }
0xab: {  	[sflag:s5] =	ssyncadd.remote.s32 @p0 $0x1;
	_ =	sdelay $0x1  }
0xac: {  	s5 =	simm.s32 @p0 $0x1B8D  }
0xad: {  	_ =	swait.eq @p0 [sflag:s5], $0x1  }
0xae: {  	[sflag:s5] =	ssyncadd.s32 @p0 $0xFFFFFFFF  }
0xaf: {  	s6 =	sshll.u32 @!p0 s1, $0xE  }
0xb0: {  	s6 =	sor.u32 @!p0 $0x4000, s6;
	s5 =	simm.s32 @!p0 $0x1B8D  }
0xb1: {  	s4 =	sshll.u32 @!p0 s4, $0x11;
	s6 =	sadd.s32 @!p0 $0x11B8D, s6;
	_ =	swait.eq @!p0 [sflag:s5], $0x1  }
0xb2: {  	s4 =	sor.u32 @!p0 s4, s6;
	[sflag:s5] =	ssyncadd.s32 @!p0 $0xFFFFFFFF  }
0xb3: {  	s25 =	simm.s32 $0x1B8E;
	s24 =	sld [smem:$0x3FFE];
	[sflag:s4] =	ssyncadd.remote.s32 @!p0 $0x1  }
0xb4: {  	s26 =	simm.s32 $execute0_lowered;
	[smem:$0x3FD2] =	sst s25  }
0xb5: {  	s5 =	sshll.u32 s26, $0x1;
	_ =	strace $0x80000049;
	[dreg:$0x1] =	wrdreg $0xFFFFFFFF  }
0xb6: {  	s28 =	simm.s32 $_size_execute0_lowered;
	s3 =	sadd.s32 s3, s5;
	[dreg:$0x0] =	wrdreg $0x0  }
0xb7: {  	s5 =	sshll.u32 s28, $0x1;
	[dreg:$0x2] =	wrdreg s3  }
0xb8: {  	[dreg:$0x3] =	wrdreg s5  }
0xb9: {  	[dreg:$0x4] =	wrdreg $0xC0  }
0xba: {  	_ =	task [dreg:s22], $0x5FFFF  }
0xbb: {  	[dreg:$0x1] =	wrdreg $0xFFFFFFFF  }
0xbc: {  	[dreg:$0x0] =	wrdreg $0x60  }
0xbd: {  	[dreg:$0x2] =	wrdreg s24  }
0xbe: {  	[dreg:$0x3] =	wrdreg $0xA  }
0xbf: {  	_ =	task.clear_ibuf [dreg:s22], $0x4FFFF;
	_ =	strace $0x90000049  }
0xc0: {  	s29 =	simm.s32 $0xA;
	_ =	strace $0x8000004B  }
0xc1: {  	_ =	swait.ge [sflag:s29], $0x1  }
0xc2: {  	[sflag:s29] =	ssyncadd.s32 $0xFFFFFFFF  }
0xc3: {  	_ =	strace $0x9000004B  }
0xc4: {  	_ =	sfence  }
0xc5: {  	s30 =	sld [smem:$0x0];
	_ =	sdelay $0x2  }
0xc6: {  	s31 =	sshll.u32 s1, $0xD;
	s1 =	sshrl.u32 s1, $0x2  }
0xc7: {  	s4 =	sand.u32 $0x4000, s31;
	s1 =	sadd.s32 s1, s30  }
0xc8: {  	s0 =	sor.u32 s4, s0;
	s1 =	sshll.u32 s1, $0x11  }
0xc9: {  	s0 =	sor.u32 s1, s0  }
0xca: {  	s0 =	sadd.s32 $0x8F2B, s0  }
0xcb: {  	[sflag:s0] =	ssyncadd.remote.s32 $0x1  }
0xcc: {  	_ =	sfence.sel $0xFFFF  }
0xcd: {  	[dreg:$0x0] =	wrdreg $0xFFFFFFFF;
	(pc) =	sbr.abs _section_cstart, $3  }
0xce: {  	[dreg:$0x1] =	wrdreg $0xFFFFFFFF  }
0xcf: {  	_ =	task.clear_ibuf [dreg:s22], $0x2FFFF;
	_ =	strace $0x9FFFFFFF  }
0xd0: {  	(tm) =	ssettm $0x7FFFFFFF  }
0xd1: {  	_ =	shalt  }
tec
execute0_lowered:
.L_overlay_start_1:
0x0: {  	(tag) =	ssettag $0x1  }
0x1: {  	s1 =	srdreg.scid;
	s0 =	stileid.u32  }
0x2: {  	s14 =	sand.u32 $0x1, s1;
	s29 =	sshll.u32 s0, $0x1  }
0x3: {  	s15 =	sor.u32 s14, s29  }
0x4: {  	s16 =	rddreg [dreg:$0x0];
	s3 =	smul.u32 $0x30, s15  }
0x5: {  	s2 =	simm.s32 $0x0;
	s1 =	rddreg [dreg:$0x1]  }
0x6: {  	[smem:$0x7FF] =	sst s2;
	s3 =	sadd.s32 s3, s16  }
0x7: {  	_ =	strace $0x8000004A;
	s4 =	sadd.s32 $0x6400, s3;
	s3 =	simm.s32 $0x2  }
0x8: {  	[tilespmem:s2], [sflag:$0x2] =	stream.linear.gather [hbm4b:s4+s2], $0x180, $0x38;
	[tilespmem:$0xC180] =	vst v63  }
0x9: {  	_ =	swait.ge [sflag:s3], $0x180  }
0xa: {  	s6 =	simm.s32 $0x60;
	[sflag:s3] =	ssyncset.done $0x0  }
0xb: {  	s7 =	simm.s32 $0x180;
	s5 =	sadd.s32 $0x2000, s16;
	[sflag:s3] =	ssyncadd.s32 $0xFFFFFE80  }
0xc: {  	[tilespmem:s7], [sflag:$0x1] =	stream.indirect.gather [hbm4b:s5+s6], $0x80, s2, s6, $0xb8;
	[tilespmem:$0xC180] =	vst v63  }
0xd: {  	s8 =	simm.s32 $0x3180  }
0xe: {  	[tilespmem:s8], [sflag:$0x1] =	stream.indirect.gather [hbm4b:s5+s6], $0x80, s6, s6, $0xb8;
	[tilespmem:$0xC180] =	vst v63  }
0xf: {  	s9 =	simm.s32 $0xC0;
	s10 =	simm.s32 $0x6180  }
0x10: {  	[tilespmem:s10], [sflag:$0x1] =	stream.indirect.gather [hbm4b:s5+s6], $0x80, s9, s6, $0xb8;
	[tilespmem:$0xC180] =	vst v63  }
0x11: {  	s11 =	simm.s32 $0x120;
	s12 =	simm.s32 $0x9180;
	s13 =	simm.s32 $0x1  }
0x12: {  	[tilespmem:s12], [sflag:$0x1] =	stream.indirect.gather [hbm4b:s5+s6], $0x80, s11, s6, $0xb8;
	[tilespmem:$0xC180] =	vst v63  }
0x13: {  	_ =	swait.ge [sflag:s13], $0x3000  }
0x14: {  	[sflag:s13] =	ssyncset.done $0x0  }
0x15: {  	[sflag:s13] =	ssyncadd.s32 $0xFFFFD000  }
0x16: {  	_ =	swait.ge [sflag:s13], $0x3000  }
0x17: {  	[sflag:s13] =	ssyncset.done $0x0  }
0x18: {  	s14 =	ssub.s32 $0x2, s14;
	[sflag:s13] =	ssyncadd.s32 $0xFFFFD000  }
0x19: {  	s17 =	sshrl.u32 s14, $0x1;
	_ =	swait.ge [sflag:s13], $0x3000  }
0x1a: {  	s30 =	ssub.s32 s14, s17;
	[sflag:s13] =	ssyncset.done $0x0  }
0x1b: {  	s15 =	smul.u32 $0x1800, s15;
	s31 =	smax.u32 s30, $0x1;
	[sflag:s13] =	ssyncadd.s32 $0xFFFFD000  }
0x1c: {  	p0 =	sne.s32 s31, $0x1;
	_ =	swait.ge [sflag:s13], $0x3000  }
.Ltmp0:
0x1d: {  	s15 =	sadd.s32 s15, s16;
	[sflag:s13] =	ssyncset.done $0x0;
	(pc) =	sbr.rel @!p0 .LBB2_2-.Ltmp0, $4  }
0x1e: {  	s14 =	sadd.s32 $0x6A00, s15;
	[sflag:s13] =	ssyncadd.s32 $0xFFFFD000  }
0x1f: {  	[hbm4b:s14+s2] =	stream.linear.scatter [tilespmem:s7], [sflag:$0x2], $0xC000, $0x38;
	[tilespmem:$0xC180] =	vst v63  }
0x20: {  	_ =	swait.ge [sflag:s3], $0xC000  }
0x21: {  	s15 =	sadd.s32 $0xFFFFFFFF, s31;
	[sflag:s3] =	ssyncset.done $0x0  }
.LBB2_1:
0x22: {  	p0 =	sne.s32 s15, $0x1;
	s15 =	sadd.s32 $0xFFFFFFFF, s15;
	[sflag:s3] =	ssyncadd.s32 $0xFFFF4000  }
0x23: {  	[tilespmem:s2], [sflag:$0x2] =	stream.linear.gather [hbm4b:s4+s2], $0x180, $0x38;
	[tilespmem:$0xC180] =	vst v63  }
0x24: {  	_ =	swait.ge [sflag:s3], $0x180  }
0x25: {  	[sflag:s3] =	ssyncset.done $0x0  }
0x26: {  	[sflag:s3] =	ssyncadd.s32 $0xFFFFFE80  }
0x27: {  	[tilespmem:s7], [sflag:$0x1] =	stream.indirect.gather [hbm4b:s5+s6], $0x80, s2, s6, $0xb8;
	[tilespmem:$0xC180] =	vst v63  }
0x28: {  	_ = 	snop  }
0x29: {  	[tilespmem:s8], [sflag:$0x1] =	stream.indirect.gather [hbm4b:s5+s6], $0x80, s6, s6, $0xb8;
	[tilespmem:$0xC180] =	vst v63  }
0x2a: {  	_ = 	snop  }
0x2b: {  	[tilespmem:s10], [sflag:$0x1] =	stream.indirect.gather [hbm4b:s5+s6], $0x80, s9, s6, $0xb8;
	[tilespmem:$0xC180] =	vst v63  }
0x2c: {  	_ = 	snop  }
0x2d: {  	[tilespmem:s12], [sflag:$0x1] =	stream.indirect.gather [hbm4b:s5+s6], $0x80, s11, s6, $0xb8;
	[tilespmem:$0xC180] =	vst v63  }
0x2e: {  	_ =	swait.ge [sflag:s13], $0x3000  }
0x2f: {  	[sflag:s13] =	ssyncset.done $0x0  }
0x30: {  	[sflag:s13] =	ssyncadd.s32 $0xFFFFD000  }
0x31: {  	_ =	swait.ge [sflag:s13], $0x3000  }
0x32: {  	[sflag:s13] =	ssyncset.done $0x0  }
0x33: {  	[sflag:s13] =	ssyncadd.s32 $0xFFFFD000  }
0x34: {  	_ =	swait.ge [sflag:s13], $0x3000  }
0x35: {  	[sflag:s13] =	ssyncset.done $0x0  }
0x36: {  	[sflag:s13] =	ssyncadd.s32 $0xFFFFD000  }
0x37: {  	_ =	swait.ge [sflag:s13], $0x3000  }
.Ltmp1:
0x38: {  	[sflag:s13] =	ssyncset.done $0x0;
	(pc) =	sbr.rel @p0 .LBB2_1-.Ltmp1, $4  }
0x39: {  	[sflag:s13] =	ssyncadd.s32 $0xFFFFD000  }
0x3a: {  	[hbm4b:s14+s2] =	stream.linear.scatter [tilespmem:s7], [sflag:$0x2], $0xC000, $0x38;
	[tilespmem:$0xC180] =	vst v63  }
0x3b: {  	_ =	swait.ge [sflag:s3], $0xC000  }
0x3c: {  	[sflag:s3] =	ssyncset.done $0x0  }
.LBB2_2:
0x3d: {  	[sflag:s3] =	ssyncadd.s32 $0xFFFF4000  }
0x3e: {  	_ =	sfence.sel $0x180000  }
0x3f: {  	[bflag:$0x0] =	sbarrier.arrive $0xFFFF  }
0x40: {  	p0 =	sne.s32 s0, $0x0;
	_ =	strace $0x9000004A  }
0x41: {  	s0 =	sadd.s32 @!p0 $0x100000, s1;
	[bflag:$0x2] =	sbarrier.arrive $0xFFFF  }
0x42: {  	[sflag:s0] =	ssyncadd.tile.s32 @!p0 $0x1;
	_ =	shalt  }
.Lfunc_end2:
_tile_overlayer_lowered:
.L_overlay_start_2:
0x43: {  	(tag) =	ssettag $0x2  }
0x44: {  	s0 =	rddreg [dreg:$0x0];
	s2 =	stileid.u32  }
0x45: {  	s1 =	rddreg [dreg:$0x1];
	p0 =	sne.s32 s2, $0x0  }
0x46: {  	s3 =	rddreg [dreg:$0x2];
	[bflag:$0x3] =	sbarrier.arrive $0xFFFF;
	s2 =	simm.s32 @!p0 $0x1C02  }
0x47: {  	[timem:s3], [sflag:s2] =	dma.local @!p0 [hbm:s0], s1  }
0x48: {  	s0 =	simm.s32 @!p0 $0x2  }
0x49: {  	_ =	swait.ge @!p0 [sflag:s0], s1  }
0x4a: {  	s1 =	ssub.s32 @!p0 $0x0, s1;
	[sflag:s0] =	ssyncset.done @!p0 $0x0  }
0x4b: {  	[sflag:s0] =	ssyncadd.s32 @!p0 s1  }
0x4c: {  	[bflag:$0x3] =	sbarrier.arrive $0xFFFF  }
0x4d: {  	_ =	shalt  }

// kernel: kernel.8.cloned.1.call-start
scs
__scs_entry_jumppad:
0x0: {  	(pc) =	sbr.rel $0x88, $3  }
0x1: {  	(tag) =	ssettag $0x0;
	lr =	simm.s32 $0x1  }
0x2: {  	[smem:$0x3F9F] =	sst lr;
	_ =	strace $0xD0000000  }
0x3: {  	_ = 	snop  }
0x4: {  	_ = 	snop  }
0x5: {  	_ = 	snop  }
0x6: {  	_ = 	snop  }
0x7: {  	_ = 	snop  }
__scs_overlays_trampoline_lowered:
0x8: {  	[smem:$0x3FAE] =	sst s0  }
0x9: {  	[smem:$0x3FAF] =	sst s1  }
0xa: {  	[smem:$0x3FB0] =	sst s2  }
0xb: {  	[smem:$0x3FB1] =	sst s3  }
0xc: {  	[smem:$0x3FB2] =	sst s4  }
0xd: {  	[smem:$0x3FB3] =	sst s5  }
0xe: {  	[smem:$0x3FB4] =	sst s6  }
0xf: {  	[smem:$0x3FB5] =	sst s7  }
0x10: {  	[smem:$0x3FB6] =	sst s8  }
0x11: {  	[smem:$0x3FB7] =	sst s9;
	s0 =	simm.s32 @!p0 $0x0  }
0x12: {  	s1 =	sld [smem:$0x3F9D];
	s0 =	simm.s32 @p0 $0x1  }
0x13: {  	[smem:$0x3FB8] =	sst s0;
	s0 =	simm.s32 @!p1 $0x0  }
0x14: {  	s2 =	sld [smem:$0x3F9C];
	s0 =	simm.s32 @p1 $0x1  }
0x15: {  	[smem:$0x3FB9] =	sst s0;
	s0 =	simm.s32 @!p2 $0x0  }
0x16: {  	s3 =	sld [smem:$0x3FDB];
	s0 =	simm.s32 @p2 $0x1  }
0x17: {  	s4 =	simm.s32 $0x1BF5;
	[smem:$0x3FBB] =	sst s0  }
0x18: {  	s0 =	sld [smem:$0x3F9E];
	_ =	swait.ge [sflag:s4], $0x0  }
0x19: {  	s7 =	sld [smem:$0x3F9F]  }
0x1a: {  	s8 =	sadd.s32 $0xFFFFE003, lr  }
0x1b: {  	s9 =	sadd.s32 $0xFFFFFEF7, lr;
	s5 =	simm.s32 $0xFFFFFFFF;
	p2 =	slt.u32 s8, $0xFFFFF086  }
0x1c: {  	p1 =	slt.u32 s9, $0xF7A;
	s5 =	simm.s32 @!p2 $0x0  }
0x1d: {  	s5 =	simm.s32 @p1 $0x1;
	p0 =	seq.s32 s7, s2  }
0x1e: {  	s7 =	smul.u32 @!p0 $0xF7A, s2;
	p2 =	seq.s32 @!p0 s5, $0x0  }
0x1f: {  	s9 =	smul.u32 $0xF7A, s1;
	s8 =	simm.s32 @!p0 $0x1BF5;
	p2 =	por !p2, p0  }
0x20: {  	[sflag:s8] =	ssyncset.s32 @!p0 $0xFFFFF086;
	s6 =	sadd.s32 @!p0 s3, s7;
	s7 =	simm.s32 @!p0 $0x108  }
0x21: {  	s3 =	sadd.s32 s3, s9;
	s6 =	sadd.s32 @!p0 $0x88, s6;
	s7 =	simm.s32 @p2 $0x1082  }
0x22: {  	[simem:s7], [sflag:s8] =	dma.local @!p0 [hbm:s6], $0xF7A  }
0x23: {  	s9 =	sor.u32 $0xD0000000, s2;
	s6 =	simm.s32 $0x108;
	_ =	swait.ge @!p0 [sflag:s8], $0x0  }
0x24: {  	s3 =	sadd.s32 $0x88, s3;
	s6 =	simm.s32 @!p1 $0x1082;
	[sflag:s4] =	ssyncset.s32 $0xFFFFF086  }
0x25: {  	[simem:s6], [sflag:s4] =	dma.local [hbm:s3], $0xF7A  }
0x26: {  	[smem:$0x3F9F] =	sst s1;
	(tag) =	ssettag s2;
	_ =	strace s9  }
0x27: {  	s1 =	sld [smem:$0x3FAF]  }
0x28: {  	s2 =	sld [smem:$0x3FB0]  }
0x29: {  	s4 =	sld [smem:$0x3FB2]  }
0x2a: {  	p0 =	seq.s32 s5, $0x0;
	s5 =	sld [smem:$0x3FB3]  }
0x2b: {  	s6 =	sld [smem:$0x3FB4]  }
0x2c: {  	s7 =	sld [smem:$0x3FB5]  }
0x2d: {  	s3 =	simm.s32 $0x108;
	s8 =	sld [smem:$0x3FB6]  }
0x2e: {  	s3 =	simm.s32 @!p0 $0x1082;
	s9 =	sld [smem:$0x3FB7]  }
0x2f: {  	lr =	sadd.s32 s0, s3;
	s0 =	sld [smem:$0x3FAE]  }
0x30: {  	s3 =	sld [smem:$0x3FB1]  }
0x31: {  	[smem:$0x3FBA] =	sst s10  }
0x32: {  	s10 =	sld [smem:$0x3FB8];
	_ =	sdelay $0x3  }
0x33: {  	p0 =	seq.s32 s10, $0x1;
	s10 =	sld [smem:$0x3FBA];
	_ =	sdelay $0x3  }
0x34: {  	[smem:$0x3FBA] =	sst s10  }
0x35: {  	s10 =	sld [smem:$0x3FB9];
	_ =	sdelay $0x3  }
0x36: {  	p1 =	seq.s32 s10, $0x1;
	s10 =	sld [smem:$0x3FBA];
	_ =	sdelay $0x3  }
0x37: {  	[smem:$0x3FBA] =	sst s10  }
0x38: {  	s10 =	sld [smem:$0x3FBB]  }
0x39: {  	_ = 	snop;
	(pc) =	sbr.ind lr, $3  }
0x3a: {  	_ = 	snop  }
0x3b: {  	_ = 	snop  }
0x3c: {  	p2 =	seq.s32 s10, $0x1;
	s10 =	sld [smem:$0x3FBA]  }
0x3d: {  	_ =	shalt  }
0x3e: {  	_ =	shalt  }
0x3f: {  	_ =	shalt  }
0x40: {  	_ =	shalt  }
0x41: {  	_ =	shalt  }
0x42: {  	_ =	shalt  }
0x43: {  	_ =	shalt  }
0x44: {  	_ =	shalt  }
0x45: {  	_ =	shalt  }
0x46: {  	_ =	shalt  }
0x47: {  	_ =	shalt  }
0x48: {  	_ =	shalt  }
0x49: {  	_ =	shalt  }
0x4a: {  	_ =	shalt  }
0x4b: {  	_ =	shalt  }
0x4c: {  	_ =	shalt  }
0x4d: {  	_ =	shalt  }
0x4e: {  	_ =	shalt  }
0x4f: {  	_ =	shalt  }
0x50: {  	_ =	shalt  }
0x51: {  	_ =	shalt  }
0x52: {  	_ =	shalt  }
0x53: {  	_ =	shalt  }
0x54: {  	_ =	shalt  }
0x55: {  	_ =	shalt  }
0x56: {  	_ =	shalt  }
0x57: {  	_ =	shalt  }
0x58: {  	_ =	shalt  }
0x59: {  	_ =	shalt  }
0x5a: {  	_ =	shalt  }
0x5b: {  	_ =	shalt  }
0x5c: {  	_ =	shalt  }
0x5d: {  	_ =	shalt  }
0x5e: {  	_ =	shalt  }
0x5f: {  	_ =	shalt  }
0x60: {  	_ =	shalt  }
0x61: {  	_ =	shalt  }
0x62: {  	_ =	shalt  }
0x63: {  	_ =	shalt  }
0x64: {  	_ =	shalt  }
0x65: {  	_ =	shalt  }
0x66: {  	_ =	shalt  }
0x67: {  	_ =	shalt  }
0x68: {  	_ =	shalt  }
0x69: {  	_ =	shalt  }
0x6a: {  	_ =	shalt  }
0x6b: {  	_ =	shalt  }
0x6c: {  	_ =	shalt  }
0x6d: {  	_ =	shalt  }
0x6e: {  	_ =	shalt  }
0x6f: {  	_ =	shalt  }
0x70: {  	_ =	shalt  }
0x71: {  	_ =	shalt  }
0x72: {  	_ =	shalt  }
0x73: {  	_ =	shalt  }
0x74: {  	_ =	shalt  }
0x75: {  	_ =	shalt  }
0x76: {  	_ =	shalt  }
0x77: {  	_ =	shalt  }
0x78: {  	_ =	shalt  }
0x79: {  	_ =	shalt  }
0x7a: {  	_ =	shalt  }
0x7b: {  	_ =	shalt  }
0x7c: {  	_ =	shalt  }
0x7d: {  	_ =	shalt  }
0x7e: {  	_ =	shalt  }
0x7f: {  	_ =	shalt  }
0x80: {  	_ =	shalt  }
0x81: {  	_ =	shalt  }
0x82: {  	_ =	shalt  }
0x83: {  	_ =	shalt  }
0x84: {  	_ =	shalt  }
0x85: {  	_ =	shalt  }
0x86: {  	_ =	shalt  }
0x87: {  	_ =	shalt  }
.Lfunc_end0:
.L_simem_size_0:
called_computation_lowered:
.L_overlay_start_0:
0x88: {  	s2 =	sld [smem:$0x3FD9]  }
0x89: {  	s3 =	sld [smem:$0x3FFE];
	_ =	sdelay $0x1  }
0x8a: {  	s1 =	srdreg.scid  }
0x8b: {  	s0 =	sand.u32 $0x1, s1  }
0x8c: {  	s14 =	sshll.u32 s0, $0xA;
	s2 =	sadd.s32 s3, s2  }
0x8d: {  	s2 =	sadd.s32 s2, s14  }
0x8e: {  	[smem:$0x3FC6] =	sst s2  }
0x8f: {  	_ = 	snop  }
0x90: {  	s2 =	sld [smem:$0x3FD0];
	_ =	sdelay $0x2  }
0x91: {  	s15 =	simm.s32 $0xB;
	s4 =	simm.s32 $0x10  }
0x92: {  	[smem:s4], [sflag:s15] =	dma.local [hbm:s2], $0x1  }
0x93: {  	_ =	swait.eq [sflag:s15], $0x1  }
0x94: {  	[sflag:s15] =	ssyncset.done $0x0  }
0x95: {  	[sflag:s15] =	ssyncadd.s32 $0xFFFFFFFF  }
0x96: {  	s16 =	sld [smem:$0x10];
	(tm) =	ssettm $0x1  }
0x97: {  	s17 =	sld [smem:$0x3FFB];
	_ =	sdelay $0x3  }
0x98: {  	_ =	strace s17  }
0x99: {  	s3 =	sld [smem:$0x3FFC];
	_ =	sdelay $0x3  }
0x9a: {  	_ =	strace s3  }
0x9b: {  	s3 =	sld [smem:$0x3FFD];
	_ =	sdelay $0x3  }
0x9c: {  	_ =	strace s3  }
0x9d: {  	_ =	strace $0x8FFFFFFF  }
0x9e: {  	s18 =	sld [smem:$0x3FDB];
	_ =	sdelay $0x1  }
0x9f: {  	s19 =	simm.s32 $_scs_section_size  }
0xa0: {  	s5 =	simm.s32 $_size__tile_overlayer_lowered;
	s6 =	simm.s32 $_tile_overlayer_lowered  }
0xa1: {  	s22 =	simm.s32 $0x1BFF;
	s21 =	sshll.u32 s6, $0x1;
	s3 =	sadd.s32 s19, s18  }
0xa2: {  	s7 =	simm.s32 $0x0;
	s20 =	sshll.u32 s5, $0x1;
	s5 =	sadd.s32 s21, s3  }
0xa3: {  	[timem:s7], [sflag:s22] =	dma.local [hbm:s5], s20  }
0xa4: {  	_ =	swait.ge [sflag:s22], s20  }
0xa5: {  	s4 =	ssub.s32 $0x0, s20;
	[sflag:s22] =	ssyncset.done $0x0  }
0xa6: {  	[sflag:s22] =	ssyncadd.s32 s4;
	_ =	sdelay $0x1  }
0xa7: {  	s23 =	simm.s32 $0x1B8B  }
0xa8: {  	_ =	swait.ge [sflag:s23], $0x1  }
0xa9: {  	[sflag:s23] =	ssyncset.done $0x0  }
0xaa: {  	s25 =	simm.s32 $0x1B8E;
	s24 =	sld [smem:$0x3FFE];
	[sflag:s23] =	ssyncadd.s32 $0xFFFFFFFF  }
0xab: {  	s26 =	simm.s32 $execute0_lowered;
	[smem:$0x3FD2] =	sst s25  }
0xac: {  	s5 =	sshll.u32 s26, $0x1;
	_ =	strace $0x80000046;
	[dreg:$0x1] =	wrdreg $0xFFFFFFFF  }
0xad: {  	s28 =	simm.s32 $_size_execute0_lowered;
	s3 =	sadd.s32 s3, s5;
	[dreg:$0x0] =	wrdreg $0x0  }
0xae: {  	s5 =	sshll.u32 s28, $0x1;
	[dreg:$0x2] =	wrdreg s3  }
0xaf: {  	[dreg:$0x3] =	wrdreg s5  }
0xb0: {  	[dreg:$0x4] =	wrdreg $0xC0  }
0xb1: {  	_ =	task [dreg:s7], $0x5FFFF  }
0xb2: {  	[dreg:$0x1] =	wrdreg $0xFFFFFFFF  }
0xb3: {  	[dreg:$0x0] =	wrdreg $0x60  }
0xb4: {  	[dreg:$0x2] =	wrdreg s24  }
0xb5: {  	[dreg:$0x3] =	wrdreg s16  }
0xb6: {  	[dreg:$0x4] =	wrdreg $0x9  }
0xb7: {  	_ =	task.clear_ibuf [dreg:s7], $0x5FFFF;
	_ =	strace $0x90000046  }
0xb8: {  	s29 =	simm.s32 $0x9;
	_ =	strace $0x80000048  }
0xb9: {  	_ =	swait.ge [sflag:s29], $0x1  }
0xba: {  	[sflag:s29] =	ssyncadd.s32 $0xFFFFFFFF  }
0xbb: {  	_ =	strace $0x90000048  }
0xbc: {  	_ =	sfence  }
0xbd: {  	s30 =	sld [smem:$0x0];
	_ =	sdelay $0x2  }
0xbe: {  	s31 =	sshll.u32 s1, $0xD;
	s1 =	sshrl.u32 s1, $0x2  }
0xbf: {  	s3 =	sand.u32 $0x4000, s31;
	s1 =	sadd.s32 s1, s30  }
0xc0: {  	s0 =	sor.u32 s3, s0;
	s1 =	sshll.u32 s1, $0x11  }
0xc1: {  	s0 =	sor.u32 s1, s0  }
0xc2: {  	s0 =	sadd.s32 $0x8F2B, s0  }
0xc3: {  	[sflag:s0] =	ssyncadd.remote.s32 $0x1  }
0xc4: {  	_ =	sfence.sel $0xFFFF  }
0xc5: {  	[dreg:$0x0] =	wrdreg $0xFFFFFFFF;
	(pc) =	sbr.abs _section_cstart, $3  }
0xc6: {  	[dreg:$0x1] =	wrdreg $0xFFFFFFFF  }
0xc7: {  	_ =	task.clear_ibuf [dreg:s7], $0x2FFFF;
	_ =	strace $0x9FFFFFFF  }
0xc8: {  	(tm) =	ssettm $0x7FFFFFFF  }
0xc9: {  	_ =	shalt  }
tec
execute0_lowered:
.L_overlay_start_1:
0x0: {  	(tag) =	ssettag $0x1  }
0x1: {  	s1 =	srdreg.scid;
	s0 =	stileid.u32  }
0x2: {  	s10 =	sand.u32 $0x1, s1;
	s30 =	sshll.u32 s0, $0x1  }
0x3: {  	s5 =	rddreg [dreg:$0x0];
	s11 =	sor.u32 s10, s30  }
0x4: {  	s12 =	rddreg [dreg:$0x1];
	s3 =	smul.u32 $0x18, s11  }
0x5: {  	s2 =	simm.s32 $0x0;
	s1 =	rddreg [dreg:$0x2]  }
0x6: {  	[smem:$0x7FF] =	sst s2;
	s3 =	sadd.s32 s3, s5  }
0x7: {  	_ =	strace $0x80000047;
	s4 =	sadd.s32 $0x6000, s3;
	s3 =	simm.s32 $0x2  }
0x8: {  	[tilespmem:s2], [sflag:$0x2] =	stream.linear.gather [hbm4b:s4+s2], $0xC0, $0x38;
	[tilespmem:$0x6100] =	vst v63  }
0x9: {  	_ =	swait.ge [sflag:s3], $0xC0  }
0xa: {  	s6 =	simm.s32 $0x60;
	[sflag:s3] =	ssyncset.done $0x0  }
0xb: {  	s7 =	simm.s32 $0x100;
	s5 =	sadd.s32 $0x2000, s5;
	[sflag:s3] =	ssyncadd.s32 $0xFFFFFF40  }
0xc: {  	[tilespmem:s7], [sflag:$0x1] =	stream.indirect.gather [hbm4b:s5+s6], $0x80, s2, s6, $0xb8;
	[tilespmem:$0x6100] =	vst v63  }
0xd: {  	s8 =	simm.s32 $0x3100;
	s9 =	simm.s32 $0x1;
	s10 =	ssub.s32 $0x2, s10  }
0xe: {  	[tilespmem:s8], [sflag:$0x1] =	stream.indirect.gather [hbm4b:s5+s6], $0x80, s6, s6, $0xb8;
	[tilespmem:$0x6100] =	vst v63  }
0xf: {  	s13 =	sshrl.u32 s10, $0x1;
	_ =	swait.ge [sflag:s9], $0x3000  }
0x10: {  	s13 =	ssub.s32 s10, s13;
	[sflag:s9] =	ssyncset.done $0x0  }
0x11: {  	s31 =	smax.u32 s13, $0x1;
	[sflag:s9] =	ssyncadd.s32 $0xFFFFD000  }
0x12: {  	s11 =	smul.u32 $0xC00, s11;
	p0 =	sne.s32 s31, $0x1;
	_ =	swait.ge [sflag:s9], $0x3000  }
.Ltmp0:
0x13: {  	[sflag:s9] =	ssyncset.done $0x0;
	(pc) =	sbr.rel @!p0 .LBB2_2-.Ltmp0, $4  }
0x14: {  	s10 =	sadd.s32 s12, s11;
	[sflag:s9] =	ssyncadd.s32 $0xFFFFD000  }
0x15: {  	[hbm4b:s10+s2] =	stream.linear.scatter [tilespmem:s7], [sflag:$0x2], $0x6000, $0x38;
	[tilespmem:$0x6100] =	vst v63  }
0x16: {  	_ =	swait.ge [sflag:s3], $0x6000  }
0x17: {  	s11 =	sadd.s32 $0xFFFFFFFF, s31;
	[sflag:s3] =	ssyncset.done $0x0  }
.LBB2_1:
0x18: {  	p0 =	sne.s32 s11, $0x1;
	s11 =	sadd.s32 $0xFFFFFFFF, s11;
	[sflag:s3] =	ssyncadd.s32 $0xFFFFA000  }
0x19: {  	[tilespmem:s2], [sflag:$0x2] =	stream.linear.gather [hbm4b:s4+s2], $0xC0, $0x38;
	[tilespmem:$0x6100] =	vst v63  }
0x1a: {  	_ =	swait.ge [sflag:s3], $0xC0  }
0x1b: {  	[sflag:s3] =	ssyncset.done $0x0  }
0x1c: {  	[sflag:s3] =	ssyncadd.s32 $0xFFFFFF40  }
0x1d: {  	[tilespmem:s7], [sflag:$0x1] =	stream.indirect.gather [hbm4b:s5+s6], $0x80, s2, s6, $0xb8;
	[tilespmem:$0x6100] =	vst v63  }
0x1e: {  	_ = 	snop  }
0x1f: {  	[tilespmem:s8], [sflag:$0x1] =	stream.indirect.gather [hbm4b:s5+s6], $0x80, s6, s6, $0xb8;
	[tilespmem:$0x6100] =	vst v63  }
0x20: {  	_ =	swait.ge [sflag:s9], $0x3000  }
0x21: {  	[sflag:s9] =	ssyncset.done $0x0  }
0x22: {  	[sflag:s9] =	ssyncadd.s32 $0xFFFFD000  }
0x23: {  	_ =	swait.ge [sflag:s9], $0x3000  }
.Ltmp1:
0x24: {  	[sflag:s9] =	ssyncset.done $0x0;
	(pc) =	sbr.rel @p0 .LBB2_1-.Ltmp1, $4  }
0x25: {  	[sflag:s9] =	ssyncadd.s32 $0xFFFFD000  }
0x26: {  	[hbm4b:s10+s2] =	stream.linear.scatter [tilespmem:s7], [sflag:$0x2], $0x6000, $0x38;
	[tilespmem:$0x6100] =	vst v63  }
0x27: {  	_ =	swait.ge [sflag:s3], $0x6000  }
0x28: {  	[sflag:s3] =	ssyncset.done $0x0  }
.LBB2_2:
0x29: {  	[sflag:s3] =	ssyncadd.s32 $0xFFFFA000  }
0x2a: {  	_ =	sfence.sel $0x180000  }
0x2b: {  	[bflag:$0x0] =	sbarrier.arrive $0xFFFF  }
0x2c: {  	p0 =	sne.s32 s0, $0x0;
	_ =	strace $0x90000047  }
0x2d: {  	s0 =	sadd.s32 @!p0 $0x100000, s1;
	[bflag:$0x2] =	sbarrier.arrive $0xFFFF  }
0x2e: {  	[sflag:s0] =	ssyncadd.tile.s32 @!p0 $0x1;
	_ =	shalt  }
.Lfunc_end2:
_tile_overlayer_lowered:
.L_overlay_start_2:
0x2f: {  	(tag) =	ssettag $0x2  }
0x30: {  	s0 =	rddreg [dreg:$0x0];
	s2 =	stileid.u32  }
0x31: {  	s1 =	rddreg [dreg:$0x1];
	p0 =	sne.s32 s2, $0x0  }
0x32: {  	s3 =	rddreg [dreg:$0x2];
	[bflag:$0x3] =	sbarrier.arrive $0xFFFF;
	s2 =	simm.s32 @!p0 $0x1C02  }
0x33: {  	[timem:s3], [sflag:s2] =	dma.local @!p0 [hbm:s0], s1  }
0x34: {  	s0 =	simm.s32 @!p0 $0x2  }
0x35: {  	_ =	swait.ge @!p0 [sflag:s0], s1  }
0x36: {  	s1 =	ssub.s32 @!p0 $0x0, s1;
	[sflag:s0] =	ssyncset.done @!p0 $0x0  }
0x37: {  	[sflag:s0] =	ssyncadd.s32 @!p0 s1  }
0x38: {  	[bflag:$0x3] =	sbarrier.arrive $0xFFFF  }
0x39: {  	_ =	shalt  }

</sc_bundles>
